<compile_context>
chip_gen: v7x
topology: tpu7x:2x2x1
jax: 0.10.2.dev20260603
libtpu: 0.0.44.dev20260713+nightly
codegen_flags: <defaults>
</compile_context>

<pallas_src>
import functools

import jax
import jax.numpy as jnp
from jax import lax
from jax.experimental import pallas as pl
from jax.experimental.pallas import tpu as pltpu
from jax.experimental.pallas import tpu_sc as plsc

CH = 16
NBUF = 4


def _pack_sc(xf, B, L, d):
    info = plsc.get_sparse_core_info()
    NC, NS, NL = info.num_cores, info.num_subcores, info.num_lanes
    NW = NC * NS
    R = (L * B) // NW
    n_chunks = R // CH
    n_groups = n_chunks // NBUF

    mesh = plsc.VectorSubcoreMesh(core_axis_name="c", subcore_axis_name="s")

    @functools.partial(
        pl.kernel,
        mesh=mesh,
        out_type=jax.ShapeDtypeStruct((L * B, d), jnp.float32),
        scratch_types=[pltpu.VMEM((CH, d), jnp.float32)] * NBUF
        + [pltpu.SemaphoreType.DMA] * (2 * NBUF),
    )
    def k(x_hbm, out_hbm, *bufsem):
        bufs, rsems, wsems = (
            bufsem[:NBUF], bufsem[NBUF:2 * NBUF], bufsem[2 * NBUF:])
        wid = lax.axis_index("s") * NC + lax.axis_index("c")
        base = wid * R
        b = base // L
        t0 = base % L

        def get(c, s):
            return pltpu.make_async_copy(
                x_hbm.at[pl.ds(base + c * CH, CH)], bufs[s], rsems[s])

        def put(c, s):
            idx = (t0 + CH * c + lax.iota(jnp.int32, NL)) * B + b
            return pltpu.make_async_copy(bufs[s], out_hbm.at[idx], wsems[s])

        for s in range(NBUF):
            get(s, s).start()

        def step(j, _):
            c0 = j * NBUF
            for s in range(NBUF):
                get(c0 + s, s).wait()
                put(c0 + s, s).start()
            for s in range(NBUF):
                put(c0 + s, s).wait()
                get(c0 + NBUF + s, s).start()
            return _

        lax.fori_loop(0, n_groups - 1, step, None)

        cl = (n_groups - 1) * NBUF
        for s in range(NBUF):
            get(cl + s, s).wait()
            put(cl + s, s).start()
        for s in range(NBUF):
            put(cl + s, s).wait()

    return k(xf)


def kernel(x):
    B, L, d = x.shape
    data = _pack_sc(x.reshape(B * L, d), B, L, d)
    batch_sizes = jnp.full((L,), B, dtype=jnp.int64)
    sorted_indices = jnp.arange(B, dtype=jnp.int64)
    unsorted_indices = jnp.arange(B, dtype=jnp.int64)
    return data, batch_sizes, sorted_indices, unsorted_indices

# --- scband reference (transcript-rebuilt; emitter-appended) ---
"""Pipeline reference for scband-auto-pack-74294344286938 (READ-ONLY COPY).

The authoritative reference and input builder live on the scoring server;
editing this copy changes nothing except your own understanding.
"""

import jax, jax.numpy as jnp
import numpy as np

PAD_SYMBOL = 0.0
MAX_SEQUENCE_LENGTH = 4096


def setup_inputs(seed: int = 0) -> dict:
    key = jax.random.key(seed)
    x = jax.random.normal(key, (16, 2048, 1024), dtype=jnp.float32)
    return {"x": x}


def reference(x):
    # The torch module receives a List[Tensor]; the harness materializes it as a
    # stacked float32[B, L, d] tensor, i.e. B sequences each of length L.
    B, L, d = x.shape
    max_seq_len = MAX_SEQUENCE_LENGTH if MAX_SEQUENCE_LENGTH > 0 else L
    missing = max_seq_len - L
    if missing > 0:
        pad = jnp.full((B, missing, d), PAD_SYMBOL, dtype=x.dtype)
        padded = jnp.concatenate([x, pad], axis=1)
    else:
        padded = x
    lengths = jnp.full((B,), L, dtype=jnp.int64)
    # pack_padded_sequence(batch_first=True, enforce_sorted=False):
    # all lengths are equal -> sorting is the identity permutation.
    # Packed data is time-major: data[t*B + b] = padded[b, t] for t < L.
    data = jnp.transpose(padded, (1, 0, 2))[:L].reshape(L * B, d)
    batch_sizes = jnp.full((L,), B, dtype=jnp.int64)
    sorted_indices = jnp.arange(B, dtype=jnp.int64)
    unsorted_indices = jnp.arange(B, dtype=jnp.int64)
    return data, batch_sizes, sorted_indices, unsorted_indices

if __name__ == "__main__":
    import jax
    _d = setup_inputs()
    print(jax.jit(kernel)(*tuple(_d.values())))

</pallas_src>

<mosaic_0001>
#map = affine_map<(d0, d1) -> (0, 0)>
module attributes {stable_mosaic.version = 14 : i64} {
  func.func @k(%arg0: i32, %arg1: i32, %arg2: memref<32768x1024xf32, #tpu.memory_space<hbm>>, %arg3: memref<32768x1024xf32, #tpu.memory_space<hbm>>, %arg4: memref<16x1024xf32, #tpu.memory_space<vmem>>, %arg5: memref<16x1024xf32, #tpu.memory_space<vmem>>, %arg6: memref<16x1024xf32, #tpu.memory_space<vmem>>, %arg7: memref<16x1024xf32, #tpu.memory_space<vmem>>, %arg8: memref<!tpu.dma_semaphore, #tpu.memory_space<semaphore_mem>>, %arg9: memref<!tpu.dma_semaphore, #tpu.memory_space<semaphore_mem>>, %arg10: memref<!tpu.dma_semaphore, #tpu.memory_space<semaphore_mem>>, %arg11: memref<!tpu.dma_semaphore, #tpu.memory_space<semaphore_mem>>, %arg12: memref<!tpu.dma_semaphore, #tpu.memory_space<semaphore_mem>>, %arg13: memref<!tpu.dma_semaphore, #tpu.memory_space<semaphore_mem>>, %arg14: memref<!tpu.dma_semaphore, #tpu.memory_space<semaphore_mem>>, %arg15: memref<!tpu.dma_semaphore, #tpu.memory_space<semaphore_mem>>) attributes {dimension_semantics = [#tpu.dimension_semantics<core_parallel>, #tpu.dimension_semantics<subcore_parallel>], iteration_bounds = array<i64: 2, 16>, scalar_prefetch = 0 : i64, scratch_operands = 12 : i64, tpu.core_type = #tpu.core_type<sc_vector_subcore>, window_params = [{transform_indices = #map}, {transform_indices = #map}]} {
    %mul3A = arith.constant 2 : i32
    %mul3A_0 = arith.muli %arg1, %mul3A : i32
    %add3A = arith.addi %mul3A_0, %arg0 : i32
    %mul3A_1 = arith.constant 1024 : i32
    %mul3A_2 = arith.muli %add3A, %mul3A_1 : i32
    %jit3A = arith.constant 2048 : i32
    %div3A = arith.divsi %mul3A_2, %jit3A : i32
    %sign3A = arith.constant 0 : i32
    %sign3A_3 = arith.cmpi sgt, %mul3A_2, %sign3A : i32
    %sign3A_4 = arith.extui %sign3A_3 : i1 to i32
    %sign3A_5 = arith.constant 0 : i32
    %sign3A_6 = arith.cmpi slt, %mul3A_2, %sign3A_5 : i32
    %sign3A_7 = arith.extui %sign3A_6 : i1 to i32
    %sign3A_8 = arith.subi %sign3A_4, %sign3A_7 : i32
    %sign3A_9 = arith.constant 0 : i32
    %sign3A_10 = arith.cmpi sgt, %jit3A, %sign3A_9 : i32
    %sign3A_11 = arith.extui %sign3A_10 : i1 to i32
    %sign3A_12 = arith.constant 0 : i32
    %sign3A_13 = arith.cmpi slt, %jit3A, %sign3A_12 : i32
    %sign3A_14 = arith.extui %sign3A_13 : i1 to i32
    %sign3A_15 = arith.subi %sign3A_11, %sign3A_14 : i32
    %ne3A = arith.cmpi ne, %sign3A_8, %sign3A_15 : i32
    %rem3A = arith.remsi %mul3A_2, %jit3A : i32
    %ne3A_16 = arith.constant 0 : i32
    %ne3A_17 = arith.cmpi ne, %rem3A, %ne3A_16 : i32
    %and3A = arith.andi %ne3A, %ne3A_17 : i1
    %sub3A = arith.constant 1 : i32
    %sub3A_18 = arith.subi %div3A, %sub3A : i32
    %select_n3A = arith.select %and3A, %sub3A_18, %div3A : i32
    %jit3A_19 = arith.constant 2048 : i32
    %eq3A = arith.constant 0 : i32
    %eq3A_20 = arith.cmpi eq, %jit3A_19, %eq3A : i32
    %jit3A_21 = arith.constant 1 : i32
    %select_n3A_22 = arith.select %eq3A_20, %jit3A_21, %jit3A_19 : i32
    %rem3A_23 = arith.remsi %mul3A_2, %select_n3A_22 : i32
    %ne3A_24 = arith.constant 0 : i32
    %ne3A_25 = arith.cmpi ne, %rem3A_23, %ne3A_24 : i32
    %lt3A = arith.constant 0 : i32
    %lt3A_26 = arith.cmpi slt, %rem3A_23, %lt3A : i32
    %lt3A_27 = arith.constant 0 : i32
    %lt3A_28 = arith.cmpi slt, %select_n3A_22, %lt3A_27 : i32
    %ne3A_29 = arith.xori %lt3A_26, %lt3A_28 : i1
    %and3A_30 = arith.andi %ne3A_29, %ne3A_25 : i1
    %add3A_31 = arith.addi %rem3A_23, %select_n3A_22 : i32
    %select_n3A_32 = arith.select %and3A_30, %add3A_31, %rem3A_23 : i32
    %add3A_33 = arith.constant 0 : i32
    %add3A_34 = arith.addi %mul3A_2, %add3A_33 : i32
    %dma_start3A = arith.constant 0 : i32
    %dma_start3A_35 = tpu.memref_slice %arg2[%add3A_34, %dma_start3A] : memref<32768x1024xf32, #tpu.memory_space<hbm>> -> memref<16x1024xf32, #tpu.memory_space<hbm>>
    %dma_start3A_36 = arith.constant 0 : i32
    %dma_start3A_37 = tpu.memref_slice %arg2[%add3A_34, %dma_start3A_36] : memref<32768x1024xf32, #tpu.memory_space<hbm>> -> memref<16x1024xf32, #tpu.memory_space<hbm>>
    tpu.enqueue_dma source(%dma_start3A_37 : memref<16x1024xf32, #tpu.memory_space<hbm>>) target(%arg4 : memref<16x1024xf32, #tpu.memory_space<vmem>>) target_semaphore(%arg8 : memref<!tpu.dma_semaphore, #tpu.memory_space<semaphore_mem>>)
    %add3A_38 = arith.constant 16 : i32
    %add3A_39 = arith.addi %mul3A_2, %add3A_38 : i32
    %dma_start3A_40 = arith.constant 0 : i32
    %dma_start3A_41 = tpu.memref_slice %arg2[%add3A_39, %dma_start3A_40] : memref<32768x1024xf32, #tpu.memory_space<hbm>> -> memref<16x1024xf32, #tpu.memory_space<hbm>>
    %dma_start3A_42 = arith.constant 0 : i32
    %dma_start3A_43 = tpu.memref_slice %arg2[%add3A_39, %dma_start3A_42] : memref<32768x1024xf32, #tpu.memory_space<hbm>> -> memref<16x1024xf32, #tpu.memory_space<hbm>>
    tpu.enqueue_dma source(%dma_start3A_43 : memref<16x1024xf32, #tpu.memory_space<hbm>>) target(%arg5 : memref<16x1024xf32, #tpu.memory_space<vmem>>) target_semaphore(%arg9 : memref<!tpu.dma_semaphore, #tpu.memory_space<semaphore_mem>>)
    %add3A_44 = arith.constant 32 : i32
    %add3A_45 = arith.addi %mul3A_2, %add3A_44 : i32
    %dma_start3A_46 = arith.constant 0 : i32
    %dma_start3A_47 = tpu.memref_slice %arg2[%add3A_45, %dma_start3A_46] : memref<32768x1024xf32, #tpu.memory_space<hbm>> -> memref<16x1024xf32, #tpu.memory_space<hbm>>
    %dma_start3A_48 = arith.constant 0 : i32
    %dma_start3A_49 = tpu.memref_slice %arg2[%add3A_45, %dma_start3A_48] : memref<32768x1024xf32, #tpu.memory_space<hbm>> -> memref<16x1024xf32, #tpu.memory_space<hbm>>
    tpu.enqueue_dma source(%dma_start3A_49 : memref<16x1024xf32, #tpu.memory_space<hbm>>) target(%arg6 : memref<16x1024xf32, #tpu.memory_space<vmem>>) target_semaphore(%arg10 : memref<!tpu.dma_semaphore, #tpu.memory_space<semaphore_mem>>)
    %add3A_50 = arith.constant 48 : i32
    %add3A_51 = arith.addi %mul3A_2, %add3A_50 : i32
    %dma_start3A_52 = arith.constant 0 : i32
    %dma_start3A_53 = tpu.memref_slice %arg2[%add3A_51, %dma_start3A_52] : memref<32768x1024xf32, #tpu.memory_space<hbm>> -> memref<16x1024xf32, #tpu.memory_space<hbm>>
    %dma_start3A_54 = arith.constant 0 : i32
    %dma_start3A_55 = tpu.memref_slice %arg2[%add3A_51, %dma_start3A_54] : memref<32768x1024xf32, #tpu.memory_space<hbm>> -> memref<16x1024xf32, #tpu.memory_space<hbm>>
    tpu.enqueue_dma source(%dma_start3A_55 : memref<16x1024xf32, #tpu.memory_space<hbm>>) target(%arg7 : memref<16x1024xf32, #tpu.memory_space<vmem>>) target_semaphore(%arg11 : memref<!tpu.dma_semaphore, #tpu.memory_space<semaphore_mem>>)
    %scan3A = arith.constant 0 : i32
    %scan3A_56 = arith.constant 15 : i32
    %scan3A_57 = arith.addi %scan3A, %scan3A_56 : i32
    %scan3A_58 = arith.constant 1 : i32
    scf.for %scan3A_186 = %scan3A to %scan3A_57 step %scan3A_58  : i32 {
      %mul3A_187 = arith.constant 4 : i32
      %mul3A_188 = arith.muli %scan3A_186, %mul3A_187 : i32
      %add3A_189 = arith.constant 0 : i32
      %add3A_190 = arith.addi %mul3A_188, %add3A_189 : i32
      %mul3A_191 = arith.constant 16 : i32
      %mul3A_192 = arith.muli %add3A_190, %mul3A_191 : i32
      %add3A_193 = arith.addi %mul3A_2, %mul3A_192 : i32
      %dma_wait3A_194 = arith.constant 0 : i32
      %dma_wait3A_195 = tpu.memref_slice %arg2[%add3A_193, %dma_wait3A_194] : memref<32768x1024xf32, #tpu.memory_space<hbm>> -> memref<16x1024xf32, #tpu.memory_space<hbm>>
      %dma_wait3A_196 = arith.constant 0 : i32
      %dma_wait3A_197 = tpu.memref_slice %arg2[%add3A_193, %dma_wait3A_196] : memref<32768x1024xf32, #tpu.memory_space<hbm>> -> memref<16x1024xf32, #tpu.memory_space<hbm>>
      tpu.wait_dma2 semaphore(%arg8 : memref<!tpu.dma_semaphore, #tpu.memory_space<semaphore_mem>>) src(%dma_wait3A_197 : memref<16x1024xf32, #tpu.memory_space<hbm>>) dst(%arg4 : memref<16x1024xf32, #tpu.memory_space<vmem>>)
      %add3A_198 = arith.constant 0 : i32
      %add3A_199 = arith.addi %mul3A_188, %add3A_198 : i32
      %mul3A_200 = arith.constant 16 : i32
      %mul3A_201 = arith.muli %mul3A_200, %add3A_199 : i32
      %add3A_202 = arith.addi %select_n3A_32, %mul3A_201 : i32
      %iota3A_203 = tpu.iota {dimensions = array<i32: 0>} : vector<16xi32>
      %add3A_204 = vector.broadcast %add3A_202 : i32 to vector<16xi32>
      %add3A_205 = arith.addi %add3A_204, %iota3A_203 : vector<16xi32>
      %mul3A_206 = arith.constant 16 : i32
      %mul3A_207 = vector.broadcast %mul3A_206 : i32 to vector<16xi32>
      %mul3A_208 = arith.muli %add3A_205, %mul3A_207 : vector<16xi32>
      %add3A_209 = vector.broadcast %select_n3A : i32 to vector<16xi32>
      %add3A_210 = arith.addi %mul3A_208, %add3A_209 : vector<16xi32>
      %dma_start3A_211 = arith.constant 0 : i32
      %dma_start3A_212 = arith.constant 0 : i32
      %dma_start3A_213 = tpu.memref_slice %arg3[%dma_start3A_211, %dma_start3A_212] : memref<32768x1024xf32, #tpu.memory_space<hbm>> -> memref<32768x1024xf32, #tpu.memory_space<hbm>>
      tpu.enqueue_indirect_dma source(%arg4 : memref<16x1024xf32, #tpu.memory_space<vmem>>) target(%dma_start3A_213 : memref<32768x1024xf32, #tpu.memory_space<hbm>>) offsets(%add3A_210 : vector<16xi32>) semaphore(%arg12 : memref<!tpu.dma_semaphore, #tpu.memory_space<semaphore_mem>>)
      %add3A_214 = arith.constant 1 : i32
      %add3A_215 = arith.addi %mul3A_188, %add3A_214 : i32
      %mul3A_216 = arith.constant 16 : i32
      %mul3A_217 = arith.muli %add3A_215, %mul3A_216 : i32
      %add3A_218 = arith.addi %mul3A_2, %mul3A_217 : i32
      %dma_wait3A_219 = arith.constant 0 : i32
      %dma_wait3A_220 = tpu.memref_slice %arg2[%add3A_218, %dma_wait3A_219] : memref<32768x1024xf32, #tpu.memory_space<hbm>> -> memref<16x1024xf32, #tpu.memory_space<hbm>>
      %dma_wait3A_221 = arith.constant 0 : i32
      %dma_wait3A_222 = tpu.memref_slice %arg2[%add3A_218, %dma_wait3A_221] : memref<32768x1024xf32, #tpu.memory_space<hbm>> -> memref<16x1024xf32, #tpu.memory_space<hbm>>
      tpu.wait_dma2 semaphore(%arg9 : memref<!tpu.dma_semaphore, #tpu.memory_space<semaphore_mem>>) src(%dma_wait3A_222 : memref<16x1024xf32, #tpu.memory_space<hbm>>) dst(%arg5 : memref<16x1024xf32, #tpu.memory_space<vmem>>)
      %add3A_223 = arith.constant 1 : i32
      %add3A_224 = arith.addi %mul3A_188, %add3A_223 : i32
      %mul3A_225 = arith.constant 16 : i32
      %mul3A_226 = arith.muli %mul3A_225, %add3A_224 : i32
      %add3A_227 = arith.addi %select_n3A_32, %mul3A_226 : i32
      %iota3A_228 = tpu.iota {dimensions = array<i32: 0>} : vector<16xi32>
      %add3A_229 = vector.broadcast %add3A_227 : i32 to vector<16xi32>
      %add3A_230 = arith.addi %add3A_229, %iota3A_228 : vector<16xi32>
      %mul3A_231 = arith.constant 16 : i32
      %mul3A_232 = vector.broadcast %mul3A_231 : i32 to vector<16xi32>
      %mul3A_233 = arith.muli %add3A_230, %mul3A_232 : vector<16xi32>
      %add3A_234 = vector.broadcast %select_n3A : i32 to vector<16xi32>
      %add3A_235 = arith.addi %mul3A_233, %add3A_234 : vector<16xi32>
      %dma_start3A_236 = arith.constant 0 : i32
      %dma_start3A_237 = arith.constant 0 : i32
      %dma_start3A_238 = tpu.memref_slice %arg3[%dma_start3A_236, %dma_start3A_237] : memref<32768x1024xf32, #tpu.memory_space<hbm>> -> memref<32768x1024xf32, #tpu.memory_space<hbm>>
      tpu.enqueue_indirect_dma source(%arg5 : memref<16x1024xf32, #tpu.memory_space<vmem>>) target(%dma_start3A_238 : memref<32768x1024xf32, #tpu.memory_space<hbm>>) offsets(%add3A_235 : vector<16xi32>) semaphore(%arg13 : memref<!tpu.dma_semaphore, #tpu.memory_space<semaphore_mem>>)
      %add3A_239 = arith.constant 2 : i32
      %add3A_240 = arith.addi %mul3A_188, %add3A_239 : i32
      %mul3A_241 = arith.constant 16 : i32
      %mul3A_242 = arith.muli %add3A_240, %mul3A_241 : i32
      %add3A_243 = arith.addi %mul3A_2, %mul3A_242 : i32
      %dma_wait3A_244 = arith.constant 0 : i32
      %dma_wait3A_245 = tpu.memref_slice %arg2[%add3A_243, %dma_wait3A_244] : memref<32768x1024xf32, #tpu.memory_space<hbm>> -> memref<16x1024xf32, #tpu.memory_space<hbm>>
      %dma_wait3A_246 = arith.constant 0 : i32
      %dma_wait3A_247 = tpu.memref_slice %arg2[%add3A_243, %dma_wait3A_246] : memref<32768x1024xf32, #tpu.memory_space<hbm>> -> memref<16x1024xf32, #tpu.memory_space<hbm>>
      tpu.wait_dma2 semaphore(%arg10 : memref<!tpu.dma_semaphore, #tpu.memory_space<semaphore_mem>>) src(%dma_wait3A_247 : memref<16x1024xf32, #tpu.memory_space<hbm>>) dst(%arg6 : memref<16x1024xf32, #tpu.memory_space<vmem>>)
      %add3A_248 = arith.constant 2 : i32
      %add3A_249 = arith.addi %mul3A_188, %add3A_248 : i32
      %mul3A_250 = arith.constant 16 : i32
      %mul3A_251 = arith.muli %mul3A_250, %add3A_249 : i32
      %add3A_252 = arith.addi %select_n3A_32, %mul3A_251 : i32
      %iota3A_253 = tpu.iota {dimensions = array<i32: 0>} : vector<16xi32>
      %add3A_254 = vector.broadcast %add3A_252 : i32 to vector<16xi32>
      %add3A_255 = arith.addi %add3A_254, %iota3A_253 : vector<16xi32>
      %mul3A_256 = arith.constant 16 : i32
      %mul3A_257 = vector.broadcast %mul3A_256 : i32 to vector<16xi32>
      %mul3A_258 = arith.muli %add3A_255, %mul3A_257 : vector<16xi32>
      %add3A_259 = vector.broadcast %select_n3A : i32 to vector<16xi32>
      %add3A_260 = arith.addi %mul3A_258, %add3A_259 : vector<16xi32>
      %dma_start3A_261 = arith.constant 0 : i32
      %dma_start3A_262 = arith.constant 0 : i32
      %dma_start3A_263 = tpu.memref_slice %arg3[%dma_start3A_261, %dma_start3A_262] : memref<32768x1024xf32, #tpu.memory_space<hbm>> -> memref<32768x1024xf32, #tpu.memory_space<hbm>>
      tpu.enqueue_indirect_dma source(%arg6 : memref<16x1024xf32, #tpu.memory_space<vmem>>) target(%dma_start3A_263 : memref<32768x1024xf32, #tpu.memory_space<hbm>>) offsets(%add3A_260 : vector<16xi32>) semaphore(%arg14 : memref<!tpu.dma_semaphore, #tpu.memory_space<semaphore_mem>>)
      %add3A_264 = arith.constant 3 : i32
      %add3A_265 = arith.addi %mul3A_188, %add3A_264 : i32
      %mul3A_266 = arith.constant 16 : i32
      %mul3A_267 = arith.muli %add3A_265, %mul3A_266 : i32
      %add3A_268 = arith.addi %mul3A_2, %mul3A_267 : i32
      %dma_wait3A_269 = arith.constant 0 : i32
      %dma_wait3A_270 = tpu.memref_slice %arg2[%add3A_268, %dma_wait3A_269] : memref<32768x1024xf32, #tpu.memory_space<hbm>> -> memref<16x1024xf32, #tpu.memory_space<hbm>>
      %dma_wait3A_271 = arith.constant 0 : i32
      %dma_wait3A_272 = tpu.memref_slice %arg2[%add3A_268, %dma_wait3A_271] : memref<32768x1024xf32, #tpu.memory_space<hbm>> -> memref<16x1024xf32, #tpu.memory_space<hbm>>
      tpu.wait_dma2 semaphore(%arg11 : memref<!tpu.dma_semaphore, #tpu.memory_space<semaphore_mem>>) src(%dma_wait3A_272 : memref<16x1024xf32, #tpu.memory_space<hbm>>) dst(%arg7 : memref<16x1024xf32, #tpu.memory_space<vmem>>)
      %add3A_273 = arith.constant 3 : i32
      %add3A_274 = arith.addi %mul3A_188, %add3A_273 : i32
      %mul3A_275 = arith.constant 16 : i32
      %mul3A_276 = arith.muli %mul3A_275, %add3A_274 : i32
      %add3A_277 = arith.addi %select_n3A_32, %mul3A_276 : i32
      %iota3A_278 = tpu.iota {dimensions = array<i32: 0>} : vector<16xi32>
      %add3A_279 = vector.broadcast %add3A_277 : i32 to vector<16xi32>
      %add3A_280 = arith.addi %add3A_279, %iota3A_278 : vector<16xi32>
      %mul3A_281 = arith.constant 16 : i32
      %mul3A_282 = vector.broadcast %mul3A_281 : i32 to vector<16xi32>
      %mul3A_283 = arith.muli %add3A_280, %mul3A_282 : vector<16xi32>
      %add3A_284 = vector.broadcast %select_n3A : i32 to vector<16xi32>
      %add3A_285 = arith.addi %mul3A_283, %add3A_284 : vector<16xi32>
      %dma_start3A_286 = arith.constant 0 : i32
      %dma_start3A_287 = arith.constant 0 : i32
      %dma_start3A_288 = tpu.memref_slice %arg3[%dma_start3A_286, %dma_start3A_287] : memref<32768x1024xf32, #tpu.memory_space<hbm>> -> memref<32768x1024xf32, #tpu.memory_space<hbm>>
      tpu.enqueue_indirect_dma source(%arg7 : memref<16x1024xf32, #tpu.memory_space<vmem>>) target(%dma_start3A_288 : memref<32768x1024xf32, #tpu.memory_space<hbm>>) offsets(%add3A_285 : vector<16xi32>) semaphore(%arg15 : memref<!tpu.dma_semaphore, #tpu.memory_space<semaphore_mem>>)
      %add3A_289 = arith.constant 0 : i32
      %add3A_290 = arith.addi %mul3A_188, %add3A_289 : i32
      %mul3A_291 = arith.constant 16 : i32
      %mul3A_292 = arith.muli %mul3A_291, %add3A_290 : i32
      %add3A_293 = arith.addi %select_n3A_32, %mul3A_292 : i32
      %iota3A_294 = tpu.iota {dimensions = array<i32: 0>} : vector<16xi32>
      %add3A_295 = vector.broadcast %add3A_293 : i32 to vector<16xi32>
      %add3A_296 = arith.addi %add3A_295, %iota3A_294 : vector<16xi32>
      %mul3A_297 = arith.constant 16 : i32
      %mul3A_298 = vector.broadcast %mul3A_297 : i32 to vector<16xi32>
      %mul3A_299 = arith.muli %add3A_296, %mul3A_298 : vector<16xi32>
      %add3A_300 = vector.broadcast %select_n3A : i32 to vector<16xi32>
      %add3A_301 = arith.addi %mul3A_299, %add3A_300 : vector<16xi32>
      %dma_wait3A_302 = arith.constant 0 : i32
      %dma_wait3A_303 = arith.constant 0 : i32
      %dma_wait3A_304 = tpu.memref_slice %arg3[%dma_wait3A_302, %dma_wait3A_303] : memref<32768x1024xf32, #tpu.memory_space<hbm>> -> memref<32768x1024xf32, #tpu.memory_space<hbm>>
      tpu.wait_indirect_dma semaphore(%arg12 : memref<!tpu.dma_semaphore, #tpu.memory_space<semaphore_mem>>) src(%arg4 : memref<16x1024xf32, #tpu.memory_space<vmem>>) dst(%dma_wait3A_304 : memref<32768x1024xf32, #tpu.memory_space<hbm>>)
      %add3A_305 = arith.constant 4 : i32
      %add3A_306 = arith.addi %mul3A_188, %add3A_305 : i32
      %add3A_307 = arith.constant 0 : i32
      %add3A_308 = arith.addi %add3A_306, %add3A_307 : i32
      %mul3A_309 = arith.constant 16 : i32
      %mul3A_310 = arith.muli %add3A_308, %mul3A_309 : i32
      %add3A_311 = arith.addi %mul3A_2, %mul3A_310 : i32
      %dma_start3A_312 = arith.constant 0 : i32
      %dma_start3A_313 = tpu.memref_slice %arg2[%add3A_311, %dma_start3A_312] : memref<32768x1024xf32, #tpu.memory_space<hbm>> -> memref<16x1024xf32, #tpu.memory_space<hbm>>
      %dma_start3A_314 = arith.constant 0 : i32
      %dma_start3A_315 = tpu.memref_slice %arg2[%add3A_311, %dma_start3A_314] : memref<32768x1024xf32, #tpu.memory_space<hbm>> -> memref<16x1024xf32, #tpu.memory_space<hbm>>
      tpu.enqueue_dma source(%dma_start3A_315 : memref<16x1024xf32, #tpu.memory_space<hbm>>) target(%arg4 : memref<16x1024xf32, #tpu.memory_space<vmem>>) target_semaphore(%arg8 : memref<!tpu.dma_semaphore, #tpu.memory_space<semaphore_mem>>)
      %add3A_316 = arith.constant 1 : i32
      %add3A_317 = arith.addi %mul3A_188, %add3A_316 : i32
      %mul3A_318 = arith.constant 16 : i32
      %mul3A_319 = arith.muli %mul3A_318, %add3A_317 : i32
      %add3A_320 = arith.addi %select_n3A_32, %mul3A_319 : i32
      %iota3A_321 = tpu.iota {dimensions = array<i32: 0>} : vector<16xi32>
      %add3A_322 = vector.broadcast %add3A_320 : i32 to vector<16xi32>
      %add3A_323 = arith.addi %add3A_322, %iota3A_321 : vector<16xi32>
      %mul3A_324 = arith.constant 16 : i32
      %mul3A_325 = vector.broadcast %mul3A_324 : i32 to vector<16xi32>
      %mul3A_326 = arith.muli %add3A_323, %mul3A_325 : vector<16xi32>
      %add3A_327 = vector.broadcast %select_n3A : i32 to vector<16xi32>
      %add3A_328 = arith.addi %mul3A_326, %add3A_327 : vector<16xi32>
      %dma_wait3A_329 = arith.constant 0 : i32
      %dma_wait3A_330 = arith.constant 0 : i32
      %dma_wait3A_331 = tpu.memref_slice %arg3[%dma_wait3A_329, %dma_wait3A_330] : memref<32768x1024xf32, #tpu.memory_space<hbm>> -> memref<32768x1024xf32, #tpu.memory_space<hbm>>
      tpu.wait_indirect_dma semaphore(%arg13 : memref<!tpu.dma_semaphore, #tpu.memory_space<semaphore_mem>>) src(%arg5 : memref<16x1024xf32, #tpu.memory_space<vmem>>) dst(%dma_wait3A_331 : memref<32768x1024xf32, #tpu.memory_space<hbm>>)
      %add3A_332 = arith.constant 4 : i32
      %add3A_333 = arith.addi %mul3A_188, %add3A_332 : i32
      %add3A_334 = arith.constant 1 : i32
      %add3A_335 = arith.addi %add3A_333, %add3A_334 : i32
      %mul3A_336 = arith.constant 16 : i32
      %mul3A_337 = arith.muli %add3A_335, %mul3A_336 : i32
      %add3A_338 = arith.addi %mul3A_2, %mul3A_337 : i32
      %dma_start3A_339 = arith.constant 0 : i32
      %dma_start3A_340 = tpu.memref_slice %arg2[%add3A_338, %dma_start3A_339] : memref<32768x1024xf32, #tpu.memory_space<hbm>> -> memref<16x1024xf32, #tpu.memory_space<hbm>>
      %dma_start3A_341 = arith.constant 0 : i32
      %dma_start3A_342 = tpu.memref_slice %arg2[%add3A_338, %dma_start3A_341] : memref<32768x1024xf32, #tpu.memory_space<hbm>> -> memref<16x1024xf32, #tpu.memory_space<hbm>>
      tpu.enqueue_dma source(%dma_start3A_342 : memref<16x1024xf32, #tpu.memory_space<hbm>>) target(%arg5 : memref<16x1024xf32, #tpu.memory_space<vmem>>) target_semaphore(%arg9 : memref<!tpu.dma_semaphore, #tpu.memory_space<semaphore_mem>>)
      %add3A_343 = arith.constant 2 : i32
      %add3A_344 = arith.addi %mul3A_188, %add3A_343 : i32
      %mul3A_345 = arith.constant 16 : i32
      %mul3A_346 = arith.muli %mul3A_345, %add3A_344 : i32
      %add3A_347 = arith.addi %select_n3A_32, %mul3A_346 : i32
      %iota3A_348 = tpu.iota {dimensions = array<i32: 0>} : vector<16xi32>
      %add3A_349 = vector.broadcast %add3A_347 : i32 to vector<16xi32>
      %add3A_350 = arith.addi %add3A_349, %iota3A_348 : vector<16xi32>
      %mul3A_351 = arith.constant 16 : i32
      %mul3A_352 = vector.broadcast %mul3A_351 : i32 to vector<16xi32>
      %mul3A_353 = arith.muli %add3A_350, %mul3A_352 : vector<16xi32>
      %add3A_354 = vector.broadcast %select_n3A : i32 to vector<16xi32>
      %add3A_355 = arith.addi %mul3A_353, %add3A_354 : vector<16xi32>
      %dma_wait3A_356 = arith.constant 0 : i32
      %dma_wait3A_357 = arith.constant 0 : i32
      %dma_wait3A_358 = tpu.memref_slice %arg3[%dma_wait3A_356, %dma_wait3A_357] : memref<32768x1024xf32, #tpu.memory_space<hbm>> -> memref<32768x1024xf32, #tpu.memory_space<hbm>>
      tpu.wait_indirect_dma semaphore(%arg14 : memref<!tpu.dma_semaphore, #tpu.memory_space<semaphore_mem>>) src(%arg6 : memref<16x1024xf32, #tpu.memory_space<vmem>>) dst(%dma_wait3A_358 : memref<32768x1024xf32, #tpu.memory_space<hbm>>)
      %add3A_359 = arith.constant 4 : i32
      %add3A_360 = arith.addi %mul3A_188, %add3A_359 : i32
      %add3A_361 = arith.constant 2 : i32
      %add3A_362 = arith.addi %add3A_360, %add3A_361 : i32
      %mul3A_363 = arith.constant 16 : i32
      %mul3A_364 = arith.muli %add3A_362, %mul3A_363 : i32
      %add3A_365 = arith.addi %mul3A_2, %mul3A_364 : i32
      %dma_start3A_366 = arith.constant 0 : i32
      %dma_start3A_367 = tpu.memref_slice %arg2[%add3A_365, %dma_start3A_366] : memref<32768x1024xf32, #tpu.memory_space<hbm>> -> memref<16x1024xf32, #tpu.memory_space<hbm>>
      %dma_start3A_368 = arith.constant 0 : i32
      %dma_start3A_369 = tpu.memref_slice %arg2[%add3A_365, %dma_start3A_368] : memref<32768x1024xf32, #tpu.memory_space<hbm>> -> memref<16x1024xf32, #tpu.memory_space<hbm>>
      tpu.enqueue_dma source(%dma_start3A_369 : memref<16x1024xf32, #tpu.memory_space<hbm>>) target(%arg6 : memref<16x1024xf32, #tpu.memory_space<vmem>>) target_semaphore(%arg10 : memref<!tpu.dma_semaphore, #tpu.memory_space<semaphore_mem>>)
      %add3A_370 = arith.constant 3 : i32
      %add3A_371 = arith.addi %mul3A_188, %add3A_370 : i32
      %mul3A_372 = arith.constant 16 : i32
      %mul3A_373 = arith.muli %mul3A_372, %add3A_371 : i32
      %add3A_374 = arith.addi %select_n3A_32, %mul3A_373 : i32
      %iota3A_375 = tpu.iota {dimensions = array<i32: 0>} : vector<16xi32>
      %add3A_376 = vector.broadcast %add3A_374 : i32 to vector<16xi32>
      %add3A_377 = arith.addi %add3A_376, %iota3A_375 : vector<16xi32>
      %mul3A_378 = arith.constant 16 : i32
      %mul3A_379 = vector.broadcast %mul3A_378 : i32 to vector<16xi32>
      %mul3A_380 = arith.muli %add3A_377, %mul3A_379 : vector<16xi32>
      %add3A_381 = vector.broadcast %select_n3A : i32 to vector<16xi32>
      %add3A_382 = arith.addi %mul3A_380, %add3A_381 : vector<16xi32>
      %dma_wait3A_383 = arith.constant 0 : i32
      %dma_wait3A_384 = arith.constant 0 : i32
      %dma_wait3A_385 = tpu.memref_slice %arg3[%dma_wait3A_383, %dma_wait3A_384] : memref<32768x1024xf32, #tpu.memory_space<hbm>> -> memref<32768x1024xf32, #tpu.memory_space<hbm>>
      tpu.wait_indirect_dma semaphore(%arg15 : memref<!tpu.dma_semaphore, #tpu.memory_space<semaphore_mem>>) src(%arg7 : memref<16x1024xf32, #tpu.memory_space<vmem>>) dst(%dma_wait3A_385 : memref<32768x1024xf32, #tpu.memory_space<hbm>>)
      %add3A_386 = arith.constant 4 : i32
      %add3A_387 = arith.addi %mul3A_188, %add3A_386 : i32
      %add3A_388 = arith.constant 3 : i32
      %add3A_389 = arith.addi %add3A_387, %add3A_388 : i32
      %mul3A_390 = arith.constant 16 : i32
      %mul3A_391 = arith.muli %add3A_389, %mul3A_390 : i32
      %add3A_392 = arith.addi %mul3A_2, %mul3A_391 : i32
      %dma_start3A_393 = arith.constant 0 : i32
      %dma_start3A_394 = tpu.memref_slice %arg2[%add3A_392, %dma_start3A_393] : memref<32768x1024xf32, #tpu.memory_space<hbm>> -> memref<16x1024xf32, #tpu.memory_space<hbm>>
      %dma_start3A_395 = arith.constant 0 : i32
      %dma_start3A_396 = tpu.memref_slice %arg2[%add3A_392, %dma_start3A_395] : memref<32768x1024xf32, #tpu.memory_space<hbm>> -> memref<16x1024xf32, #tpu.memory_space<hbm>>
      tpu.enqueue_dma source(%dma_start3A_396 : memref<16x1024xf32, #tpu.memory_space<hbm>>) target(%arg7 : memref<16x1024xf32, #tpu.memory_space<vmem>>) target_semaphore(%arg11 : memref<!tpu.dma_semaphore, #tpu.memory_space<semaphore_mem>>)
    }
    %scan3A_59 = arith.constant 15 : i32
    %add3A_60 = arith.constant 960 : i32
    %add3A_61 = arith.addi %mul3A_2, %add3A_60 : i32
    %dma_wait3A = arith.constant 0 : i32
    %dma_wait3A_62 = tpu.memref_slice %arg2[%add3A_61, %dma_wait3A] : memref<32768x1024xf32, #tpu.memory_space<hbm>> -> memref<16x1024xf32, #tpu.memory_space<hbm>>
    %dma_wait3A_63 = arith.constant 0 : i32
    %dma_wait3A_64 = tpu.memref_slice %arg2[%add3A_61, %dma_wait3A_63] : memref<32768x1024xf32, #tpu.memory_space<hbm>> -> memref<16x1024xf32, #tpu.memory_space<hbm>>
    tpu.wait_dma2 semaphore(%arg8 : memref<!tpu.dma_semaphore, #tpu.memory_space<semaphore_mem>>) src(%dma_wait3A_64 : memref<16x1024xf32, #tpu.memory_space<hbm>>) dst(%arg4 : memref<16x1024xf32, #tpu.memory_space<vmem>>)
    %add3A_65 = arith.constant 960 : i32
    %add3A_66 = arith.addi %select_n3A_32, %add3A_65 : i32
    %iota3A = tpu.iota {dimensions = array<i32: 0>} : vector<16xi32>
    %add3A_67 = vector.broadcast %add3A_66 : i32 to vector<16xi32>
    %add3A_68 = arith.addi %add3A_67, %iota3A : vector<16xi32>
    %mul3A_69 = arith.constant 16 : i32
    %mul3A_70 = vector.broadcast %mul3A_69 : i32 to vector<16xi32>
    %mul3A_71 = arith.muli %add3A_68, %mul3A_70 : vector<16xi32>
    %add3A_72 = vector.broadcast %select_n3A : i32 to vector<16xi32>
    %add3A_73 = arith.addi %mul3A_71, %add3A_72 : vector<16xi32>
    %dma_start3A_74 = arith.constant 0 : i32
    %dma_start3A_75 = arith.constant 0 : i32
    %dma_start3A_76 = tpu.memref_slice %arg3[%dma_start3A_74, %dma_start3A_75] : memref<32768x1024xf32, #tpu.memory_space<hbm>> -> memref<32768x1024xf32, #tpu.memory_space<hbm>>
    tpu.enqueue_indirect_dma source(%arg4 : memref<16x1024xf32, #tpu.memory_space<vmem>>) target(%dma_start3A_76 : memref<32768x1024xf32, #tpu.memory_space<hbm>>) offsets(%add3A_73 : vector<16xi32>) semaphore(%arg12 : memref<!tpu.dma_semaphore, #tpu.memory_space<semaphore_mem>>)
    %add3A_77 = arith.constant 976 : i32
    %add3A_78 = arith.addi %mul3A_2, %add3A_77 : i32
    %dma_wait3A_79 = arith.constant 0 : i32
    %dma_wait3A_80 = tpu.memref_slice %arg2[%add3A_78, %dma_wait3A_79] : memref<32768x1024xf32, #tpu.memory_space<hbm>> -> memref<16x1024xf32, #tpu.memory_space<hbm>>
    %dma_wait3A_81 = arith.constant 0 : i32
    %dma_wait3A_82 = tpu.memref_slice %arg2[%add3A_78, %dma_wait3A_81] : memref<32768x1024xf32, #tpu.memory_space<hbm>> -> memref<16x1024xf32, #tpu.memory_space<hbm>>
    tpu.wait_dma2 semaphore(%arg9 : memref<!tpu.dma_semaphore, #tpu.memory_space<semaphore_mem>>) src(%dma_wait3A_82 : memref<16x1024xf32, #tpu.memory_space<hbm>>) dst(%arg5 : memref<16x1024xf32, #tpu.memory_space<vmem>>)
    %add3A_83 = arith.constant 976 : i32
    %add3A_84 = arith.addi %select_n3A_32, %add3A_83 : i32
    %iota3A_85 = tpu.iota {dimensions = array<i32: 0>} : vector<16xi32>
    %add3A_86 = vector.broadcast %add3A_84 : i32 to vector<16xi32>
    %add3A_87 = arith.addi %add3A_86, %iota3A_85 : vector<16xi32>
    %mul3A_88 = arith.constant 16 : i32
    %mul3A_89 = vector.broadcast %mul3A_88 : i32 to vector<16xi32>
    %mul3A_90 = arith.muli %add3A_87, %mul3A_89 : vector<16xi32>
    %add3A_91 = vector.broadcast %select_n3A : i32 to vector<16xi32>
    %add3A_92 = arith.addi %mul3A_90, %add3A_91 : vector<16xi32>
    %dma_start3A_93 = arith.constant 0 : i32
    %dma_start3A_94 = arith.constant 0 : i32
    %dma_start3A_95 = tpu.memref_slice %arg3[%dma_start3A_93, %dma_start3A_94] : memref<32768x1024xf32, #tpu.memory_space<hbm>> -> memref<32768x1024xf32, #tpu.memory_space<hbm>>
    tpu.enqueue_indirect_dma source(%arg5 : memref<16x1024xf32, #tpu.memory_space<vmem>>) target(%dma_start3A_95 : memref<32768x1024xf32, #tpu.memory_space<hbm>>) offsets(%add3A_92 : vector<16xi32>) semaphore(%arg13 : memref<!tpu.dma_semaphore, #tpu.memory_space<semaphore_mem>>)
    %add3A_96 = arith.constant 992 : i32
    %add3A_97 = arith.addi %mul3A_2, %add3A_96 : i32
    %dma_wait3A_98 = arith.constant 0 : i32
    %dma_wait3A_99 = tpu.memref_slice %arg2[%add3A_97, %dma_wait3A_98] : memref<32768x1024xf32, #tpu.memory_space<hbm>> -> memref<16x1024xf32, #tpu.memory_space<hbm>>
    %dma_wait3A_100 = arith.constant 0 : i32
    %dma_wait3A_101 = tpu.memref_slice %arg2[%add3A_97, %dma_wait3A_100] : memref<32768x1024xf32, #tpu.memory_space<hbm>> -> memref<16x1024xf32, #tpu.memory_space<hbm>>
    tpu.wait_dma2 semaphore(%arg10 : memref<!tpu.dma_semaphore, #tpu.memory_space<semaphore_mem>>) src(%dma_wait3A_101 : memref<16x1024xf32, #tpu.memory_space<hbm>>) dst(%arg6 : memref<16x1024xf32, #tpu.memory_space<vmem>>)
    %add3A_102 = arith.constant 992 : i32
    %add3A_103 = arith.addi %select_n3A_32, %add3A_102 : i32
    %iota3A_104 = tpu.iota {dimensions = array<i32: 0>} : vector<16xi32>
    %add3A_105 = vector.broadcast %add3A_103 : i32 to vector<16xi32>
    %add3A_106 = arith.addi %add3A_105, %iota3A_104 : vector<16xi32>
    %mul3A_107 = arith.constant 16 : i32
    %mul3A_108 = vector.broadcast %mul3A_107 : i32 to vector<16xi32>
    %mul3A_109 = arith.muli %add3A_106, %mul3A_108 : vector<16xi32>
    %add3A_110 = vector.broadcast %select_n3A : i32 to vector<16xi32>
    %add3A_111 = arith.addi %mul3A_109, %add3A_110 : vector<16xi32>
    %dma_start3A_112 = arith.constant 0 : i32
    %dma_start3A_113 = arith.constant 0 : i32
    %dma_start3A_114 = tpu.memref_slice %arg3[%dma_start3A_112, %dma_start3A_113] : memref<32768x1024xf32, #tpu.memory_space<hbm>> -> memref<32768x1024xf32, #tpu.memory_space<hbm>>
    tpu.enqueue_indirect_dma source(%arg6 : memref<16x1024xf32, #tpu.memory_space<vmem>>) target(%dma_start3A_114 : memref<32768x1024xf32, #tpu.memory_space<hbm>>) offsets(%add3A_111 : vector<16xi32>) semaphore(%arg14 : memref<!tpu.dma_semaphore, #tpu.memory_space<semaphore_mem>>)
    %add3A_115 = arith.constant 1008 : i32
    %add3A_116 = arith.addi %mul3A_2, %add3A_115 : i32
    %dma_wait3A_117 = arith.constant 0 : i32
    %dma_wait3A_118 = tpu.memref_slice %arg2[%add3A_116, %dma_wait3A_117] : memref<32768x1024xf32, #tpu.memory_space<hbm>> -> memref<16x1024xf32, #tpu.memory_space<hbm>>
    %dma_wait3A_119 = arith.constant 0 : i32
    %dma_wait3A_120 = tpu.memref_slice %arg2[%add3A_116, %dma_wait3A_119] : memref<32768x1024xf32, #tpu.memory_space<hbm>> -> memref<16x1024xf32, #tpu.memory_space<hbm>>
    tpu.wait_dma2 semaphore(%arg11 : memref<!tpu.dma_semaphore, #tpu.memory_space<semaphore_mem>>) src(%dma_wait3A_120 : memref<16x1024xf32, #tpu.memory_space<hbm>>) dst(%arg7 : memref<16x1024xf32, #tpu.memory_space<vmem>>)
    %add3A_121 = arith.constant 1008 : i32
    %add3A_122 = arith.addi %select_n3A_32, %add3A_121 : i32
    %iota3A_123 = tpu.iota {dimensions = array<i32: 0>} : vector<16xi32>
    %add3A_124 = vector.broadcast %add3A_122 : i32 to vector<16xi32>
    %add3A_125 = arith.addi %add3A_124, %iota3A_123 : vector<16xi32>
    %mul3A_126 = arith.constant 16 : i32
    %mul3A_127 = vector.broadcast %mul3A_126 : i32 to vector<16xi32>
    %mul3A_128 = arith.muli %add3A_125, %mul3A_127 : vector<16xi32>
    %add3A_129 = vector.broadcast %select_n3A : i32 to vector<16xi32>
    %add3A_130 = arith.addi %mul3A_128, %add3A_129 : vector<16xi32>
    %dma_start3A_131 = arith.constant 0 : i32
    %dma_start3A_132 = arith.constant 0 : i32
    %dma_start3A_133 = tpu.memref_slice %arg3[%dma_start3A_131, %dma_start3A_132] : memref<32768x1024xf32, #tpu.memory_space<hbm>> -> memref<32768x1024xf32, #tpu.memory_space<hbm>>
    tpu.enqueue_indirect_dma source(%arg7 : memref<16x1024xf32, #tpu.memory_space<vmem>>) target(%dma_start3A_133 : memref<32768x1024xf32, #tpu.memory_space<hbm>>) offsets(%add3A_130 : vector<16xi32>) semaphore(%arg15 : memref<!tpu.dma_semaphore, #tpu.memory_space<semaphore_mem>>)
    %add3A_134 = arith.constant 960 : i32
    %add3A_135 = arith.addi %select_n3A_32, %add3A_134 : i32
    %iota3A_136 = tpu.iota {dimensions = array<i32: 0>} : vector<16xi32>
    %add3A_137 = vector.broadcast %add3A_135 : i32 to vector<16xi32>
    %add3A_138 = arith.addi %add3A_137, %iota3A_136 : vector<16xi32>
    %mul3A_139 = arith.constant 16 : i32
    %mul3A_140 = vector.broadcast %mul3A_139 : i32 to vector<16xi32>
    %mul3A_141 = arith.muli %add3A_138, %mul3A_140 : vector<16xi32>
    %add3A_142 = vector.broadcast %select_n3A : i32 to vector<16xi32>
    %add3A_143 = arith.addi %mul3A_141, %add3A_142 : vector<16xi32>
    %dma_wait3A_144 = arith.constant 0 : i32
    %dma_wait3A_145 = arith.constant 0 : i32
    %dma_wait3A_146 = tpu.memref_slice %arg3[%dma_wait3A_144, %dma_wait3A_145] : memref<32768x1024xf32, #tpu.memory_space<hbm>> -> memref<32768x1024xf32, #tpu.memory_space<hbm>>
    tpu.wait_indirect_dma semaphore(%arg12 : memref<!tpu.dma_semaphore, #tpu.memory_space<semaphore_mem>>) src(%arg4 : memref<16x1024xf32, #tpu.memory_space<vmem>>) dst(%dma_wait3A_146 : memref<32768x1024xf32, #tpu.memory_space<hbm>>)
    %add3A_147 = arith.constant 976 : i32
    %add3A_148 = arith.addi %select_n3A_32, %add3A_147 : i32
    %iota3A_149 = tpu.iota {dimensions = array<i32: 0>} : vector<16xi32>
    %add3A_150 = vector.broadcast %add3A_148 : i32 to vector<16xi32>
    %add3A_151 = arith.addi %add3A_150, %iota3A_149 : vector<16xi32>
    %mul3A_152 = arith.constant 16 : i32
    %mul3A_153 = vector.broadcast %mul3A_152 : i32 to vector<16xi32>
    %mul3A_154 = arith.muli %add3A_151, %mul3A_153 : vector<16xi32>
    %add3A_155 = vector.broadcast %select_n3A : i32 to vector<16xi32>
    %add3A_156 = arith.addi %mul3A_154, %add3A_155 : vector<16xi32>
    %dma_wait3A_157 = arith.constant 0 : i32
    %dma_wait3A_158 = arith.constant 0 : i32
    %dma_wait3A_159 = tpu.memref_slice %arg3[%dma_wait3A_157, %dma_wait3A_158] : memref<32768x1024xf32, #tpu.memory_space<hbm>> -> memref<32768x1024xf32, #tpu.memory_space<hbm>>
    tpu.wait_indirect_dma semaphore(%arg13 : memref<!tpu.dma_semaphore, #tpu.memory_space<semaphore_mem>>) src(%arg5 : memref<16x1024xf32, #tpu.memory_space<vmem>>) dst(%dma_wait3A_159 : memref<32768x1024xf32, #tpu.memory_space<hbm>>)
    %add3A_160 = arith.constant 992 : i32
    %add3A_161 = arith.addi %select_n3A_32, %add3A_160 : i32
    %iota3A_162 = tpu.iota {dimensions = array<i32: 0>} : vector<16xi32>
    %add3A_163 = vector.broadcast %add3A_161 : i32 to vector<16xi32>
    %add3A_164 = arith.addi %add3A_163, %iota3A_162 : vector<16xi32>
    %mul3A_165 = arith.constant 16 : i32
    %mul3A_166 = vector.broadcast %mul3A_165 : i32 to vector<16xi32>
    %mul3A_167 = arith.muli %add3A_164, %mul3A_166 : vector<16xi32>
    %add3A_168 = vector.broadcast %select_n3A : i32 to vector<16xi32>
    %add3A_169 = arith.addi %mul3A_167, %add3A_168 : vector<16xi32>
    %dma_wait3A_170 = arith.constant 0 : i32
    %dma_wait3A_171 = arith.constant 0 : i32
    %dma_wait3A_172 = tpu.memref_slice %arg3[%dma_wait3A_170, %dma_wait3A_171] : memref<32768x1024xf32, #tpu.memory_space<hbm>> -> memref<32768x1024xf32, #tpu.memory_space<hbm>>
    tpu.wait_indirect_dma semaphore(%arg14 : memref<!tpu.dma_semaphore, #tpu.memory_space<semaphore_mem>>) src(%arg6 : memref<16x1024xf32, #tpu.memory_space<vmem>>) dst(%dma_wait3A_172 : memref<32768x1024xf32, #tpu.memory_space<hbm>>)
    %add3A_173 = arith.constant 1008 : i32
    %add3A_174 = arith.addi %select_n3A_32, %add3A_173 : i32
    %iota3A_175 = tpu.iota {dimensions = array<i32: 0>} : vector<16xi32>
    %add3A_176 = vector.broadcast %add3A_174 : i32 to vector<16xi32>
    %add3A_177 = arith.addi %add3A_176, %iota3A_175 : vector<16xi32>
    %mul3A_178 = arith.constant 16 : i32
    %mul3A_179 = vector.broadcast %mul3A_178 : i32 to vector<16xi32>
    %mul3A_180 = arith.muli %add3A_177, %mul3A_179 : vector<16xi32>
    %add3A_181 = vector.broadcast %select_n3A : i32 to vector<16xi32>
    %add3A_182 = arith.addi %mul3A_180, %add3A_181 : vector<16xi32>
    %dma_wait3A_183 = arith.constant 0 : i32
    %dma_wait3A_184 = arith.constant 0 : i32
    %dma_wait3A_185 = tpu.memref_slice %arg3[%dma_wait3A_183, %dma_wait3A_184] : memref<32768x1024xf32, #tpu.memory_space<hbm>> -> memref<32768x1024xf32, #tpu.memory_space<hbm>>
    tpu.wait_indirect_dma semaphore(%arg15 : memref<!tpu.dma_semaphore, #tpu.memory_space<semaphore_mem>>) src(%arg7 : memref<16x1024xf32, #tpu.memory_space<vmem>>) dst(%dma_wait3A_185 : memref<32768x1024xf32, #tpu.memory_space<hbm>>)
    return
  }
}

</mosaic_0001>

<sc_bundles>
// kernel: kernel.3.cloned.1.call-start
scs
__scs_entry_jumppad:
0x0: {  	(pc) =	sbr.rel $0x88, $3  }
0x1: {  	(tag) =	ssettag $0x0;
	lr =	simm.s32 $0x1  }
0x2: {  	[smem:$0x3FA0] =	sst lr;
	_ =	strace $0xD0000000  }
0x3: {  	_ = 	snop  }
0x4: {  	_ = 	snop  }
0x5: {  	_ = 	snop  }
0x6: {  	_ = 	snop  }
0x7: {  	_ = 	snop  }
__scs_overlays_trampoline_lowered:
0x8: {  	[smem:$0x3FAF] =	sst s0  }
0x9: {  	[smem:$0x3FB0] =	sst s1  }
0xa: {  	[smem:$0x3FB1] =	sst s2  }
0xb: {  	[smem:$0x3FB2] =	sst s3  }
0xc: {  	[smem:$0x3FB3] =	sst s4  }
0xd: {  	[smem:$0x3FB4] =	sst s5  }
0xe: {  	[smem:$0x3FB5] =	sst s6  }
0xf: {  	[smem:$0x3FB6] =	sst s7  }
0x10: {  	[smem:$0x3FB7] =	sst s8  }
0x11: {  	[smem:$0x3FB8] =	sst s9;
	s0 =	simm.s32 @!p0 $0x0  }
0x12: {  	s1 =	sld [smem:$0x3F9E];
	s0 =	simm.s32 @p0 $0x1  }
0x13: {  	[smem:$0x3FB9] =	sst s0;
	s0 =	simm.s32 @!p1 $0x0  }
0x14: {  	s2 =	sld [smem:$0x3F9D];
	s0 =	simm.s32 @p1 $0x1  }
0x15: {  	[smem:$0x3FBA] =	sst s0;
	s0 =	simm.s32 @!p2 $0x0  }
0x16: {  	s3 =	sld [smem:$0x3FDB];
	s0 =	simm.s32 @p2 $0x1  }
0x17: {  	s4 =	simm.s32 $0x1BF5;
	[smem:$0x3FBC] =	sst s0  }
0x18: {  	s0 =	sld [smem:$0x3F9F];
	_ =	swait.ge [sflag:s4], $0x0  }
0x19: {  	s7 =	sld [smem:$0x3FA0]  }
0x1a: {  	s8 =	sadd.s32 $0xFFFFE003, lr  }
0x1b: {  	s9 =	sadd.s32 $0xFFFFFEF7, lr;
	s5 =	simm.s32 $0xFFFFFFFF;
	p2 =	slt.u32 s8, $0xFFFFF086  }
0x1c: {  	p1 =	slt.u32 s9, $0xF7A;
	s5 =	simm.s32 @!p2 $0x0  }
0x1d: {  	s5 =	simm.s32 @p1 $0x1;
	p0 =	seq.s32 s7, s2  }
0x1e: {  	s7 =	smul.u32 @!p0 $0xF7A, s2;
	p2 =	seq.s32 @!p0 s5, $0x0  }
0x1f: {  	s9 =	smul.u32 $0xF7A, s1;
	s8 =	simm.s32 @!p0 $0x1BF5;
	p2 =	por !p2, p0  }
0x20: {  	[sflag:s8] =	ssyncset.s32 @!p0 $0xFFFFF086;
	s6 =	sadd.s32 @!p0 s3, s7;
	s7 =	simm.s32 @!p0 $0x108  }
0x21: {  	s3 =	sadd.s32 s3, s9;
	s6 =	sadd.s32 @!p0 $0x88, s6;
	s7 =	simm.s32 @p2 $0x1082  }
0x22: {  	[simem:s7], [sflag:s8] =	dma.local @!p0 [hbm:s6], $0xF7A  }
0x23: {  	s9 =	sor.u32 $0xD0000000, s2;
	s6 =	simm.s32 $0x108;
	_ =	swait.ge @!p0 [sflag:s8], $0x0  }
0x24: {  	s3 =	sadd.s32 $0x88, s3;
	s6 =	simm.s32 @!p1 $0x1082;
	[sflag:s4] =	ssyncset.s32 $0xFFFFF086  }
0x25: {  	[simem:s6], [sflag:s4] =	dma.local [hbm:s3], $0xF7A  }
0x26: {  	[smem:$0x3FA0] =	sst s1;
	(tag) =	ssettag s2;
	_ =	strace s9  }
0x27: {  	s1 =	sld [smem:$0x3FB0]  }
0x28: {  	s2 =	sld [smem:$0x3FB1]  }
0x29: {  	s4 =	sld [smem:$0x3FB3]  }
0x2a: {  	p0 =	seq.s32 s5, $0x0;
	s5 =	sld [smem:$0x3FB4]  }
0x2b: {  	s6 =	sld [smem:$0x3FB5]  }
0x2c: {  	s7 =	sld [smem:$0x3FB6]  }
0x2d: {  	s3 =	simm.s32 $0x108;
	s8 =	sld [smem:$0x3FB7]  }
0x2e: {  	s3 =	simm.s32 @!p0 $0x1082;
	s9 =	sld [smem:$0x3FB8]  }
0x2f: {  	lr =	sadd.s32 s0, s3;
	s0 =	sld [smem:$0x3FAF]  }
0x30: {  	s3 =	sld [smem:$0x3FB2]  }
0x31: {  	[smem:$0x3FBB] =	sst s10  }
0x32: {  	s10 =	sld [smem:$0x3FB9];
	_ =	sdelay $0x3  }
0x33: {  	p0 =	seq.s32 s10, $0x1;
	s10 =	sld [smem:$0x3FBB];
	_ =	sdelay $0x3  }
0x34: {  	[smem:$0x3FBB] =	sst s10  }
0x35: {  	s10 =	sld [smem:$0x3FBA];
	_ =	sdelay $0x3  }
0x36: {  	p1 =	seq.s32 s10, $0x1;
	s10 =	sld [smem:$0x3FBB];
	_ =	sdelay $0x3  }
0x37: {  	[smem:$0x3FBB] =	sst s10  }
0x38: {  	s10 =	sld [smem:$0x3FBC]  }
0x39: {  	_ = 	snop;
	(pc) =	sbr.ind lr, $3  }
0x3a: {  	_ = 	snop  }
0x3b: {  	_ = 	snop  }
0x3c: {  	p2 =	seq.s32 s10, $0x1;
	s10 =	sld [smem:$0x3FBB]  }
0x3d: {  	_ =	shalt  }
0x3e: {  	_ =	shalt  }
0x3f: {  	_ =	shalt  }
0x40: {  	_ =	shalt  }
0x41: {  	_ =	shalt  }
0x42: {  	_ =	shalt  }
0x43: {  	_ =	shalt  }
0x44: {  	_ =	shalt  }
0x45: {  	_ =	shalt  }
0x46: {  	_ =	shalt  }
0x47: {  	_ =	shalt  }
0x48: {  	_ =	shalt  }
0x49: {  	_ =	shalt  }
0x4a: {  	_ =	shalt  }
0x4b: {  	_ =	shalt  }
0x4c: {  	_ =	shalt  }
0x4d: {  	_ =	shalt  }
0x4e: {  	_ =	shalt  }
0x4f: {  	_ =	shalt  }
0x50: {  	_ =	shalt  }
0x51: {  	_ =	shalt  }
0x52: {  	_ =	shalt  }
0x53: {  	_ =	shalt  }
0x54: {  	_ =	shalt  }
0x55: {  	_ =	shalt  }
0x56: {  	_ =	shalt  }
0x57: {  	_ =	shalt  }
0x58: {  	_ =	shalt  }
0x59: {  	_ =	shalt  }
0x5a: {  	_ =	shalt  }
0x5b: {  	_ =	shalt  }
0x5c: {  	_ =	shalt  }
0x5d: {  	_ =	shalt  }
0x5e: {  	_ =	shalt  }
0x5f: {  	_ =	shalt  }
0x60: {  	_ =	shalt  }
0x61: {  	_ =	shalt  }
0x62: {  	_ =	shalt  }
0x63: {  	_ =	shalt  }
0x64: {  	_ =	shalt  }
0x65: {  	_ =	shalt  }
0x66: {  	_ =	shalt  }
0x67: {  	_ =	shalt  }
0x68: {  	_ =	shalt  }
0x69: {  	_ =	shalt  }
0x6a: {  	_ =	shalt  }
0x6b: {  	_ =	shalt  }
0x6c: {  	_ =	shalt  }
0x6d: {  	_ =	shalt  }
0x6e: {  	_ =	shalt  }
0x6f: {  	_ =	shalt  }
0x70: {  	_ =	shalt  }
0x71: {  	_ =	shalt  }
0x72: {  	_ =	shalt  }
0x73: {  	_ =	shalt  }
0x74: {  	_ =	shalt  }
0x75: {  	_ =	shalt  }
0x76: {  	_ =	shalt  }
0x77: {  	_ =	shalt  }
0x78: {  	_ =	shalt  }
0x79: {  	_ =	shalt  }
0x7a: {  	_ =	shalt  }
0x7b: {  	_ =	shalt  }
0x7c: {  	_ =	shalt  }
0x7d: {  	_ =	shalt  }
0x7e: {  	_ =	shalt  }
0x7f: {  	_ =	shalt  }
0x80: {  	_ =	shalt  }
0x81: {  	_ =	shalt  }
0x82: {  	_ =	shalt  }
0x83: {  	_ =	shalt  }
0x84: {  	_ =	shalt  }
0x85: {  	_ =	shalt  }
0x86: {  	_ =	shalt  }
0x87: {  	_ =	shalt  }
.Lfunc_end0:
.L_simem_size_0:
called_computation_lowered:
.L_overlay_start_0:
0x88: {  	s2 =	sld [smem:$0x3FD9]  }
0x89: {  	s3 =	sld [smem:$0x3FFE];
	_ =	sdelay $0x1  }
0x8a: {  	s1 =	srdreg.scid  }
0x8b: {  	s0 =	sand.u32 $0x1, s1  }
0x8c: {  	s15 =	sshll.u32 s0, $0xA;
	s2 =	sadd.s32 s3, s2  }
0x8d: {  	s2 =	sadd.s32 s2, s15  }
0x8e: {  	[smem:$0x3FC7] =	sst s2  }
0x8f: {  	_ = 	snop  }
0x90: {  	s2 =	sld [smem:$0x3FD0];
	_ =	sdelay $0x2  }
0x91: {  	s4 =	simm.s32 $0xA;
	s5 =	simm.s32 $0x10;
	s16 =	sld [smem:$0x3FC9]  }
0x92: {  	[smem:s5], [sflag:s4] =	dma.local [hbm:s2], $0x1  }
0x93: {  	_ =	swait.eq [sflag:s4], $0x1  }
0x94: {  	[sflag:s4] =	ssyncset.done $0x0  }
0x95: {  	[sflag:s4] =	ssyncadd.s32 $0xFFFFFFFF  }
0x96: {  	s17 =	sld [smem:$0x10];
	(tm) =	ssettm $0x1  }
0x97: {  	s18 =	sld [smem:$0x3FFB];
	_ =	sdelay $0x3  }
0x98: {  	_ =	strace s18  }
0x99: {  	s4 =	sld [smem:$0x3FFC];
	_ =	sdelay $0x3  }
0x9a: {  	_ =	strace s4  }
0x9b: {  	s4 =	sld [smem:$0x3FFD];
	_ =	sdelay $0x3  }
0x9c: {  	_ =	strace s4  }
0x9d: {  	_ =	strace $0x8FFFFFFF  }
0x9e: {  	s19 =	sld [smem:$0x3FDB];
	_ =	sdelay $0x1  }
0x9f: {  	s20 =	simm.s32 $_scs_section_size  }
0xa0: {  	s6 =	simm.s32 $_size__tile_overlayer_lowered;
	s7 =	simm.s32 $_tile_overlayer_lowered  }
0xa1: {  	s23 =	simm.s32 $0x1BFF;
	s22 =	sshll.u32 s7, $0x1;
	s4 =	sadd.s32 s20, s19  }
0xa2: {  	s8 =	simm.s32 $0x0;
	s21 =	sshll.u32 s6, $0x1;
	s6 =	sadd.s32 s22, s4  }
0xa3: {  	[timem:s8], [sflag:s23] =	dma.local [hbm:s6], s21  }
0xa4: {  	_ =	swait.ge [sflag:s23], s21  }
0xa5: {  	s5 =	ssub.s32 $0x0, s21;
	[sflag:s23] =	ssyncset.done $0x0  }
0xa6: {  	[sflag:s23] =	ssyncadd.s32 s5;
	_ =	sdelay $0x1  }
0xa7: {  	s24 =	simm.s32 $0x1B8B  }
0xa8: {  	_ =	swait.ge [sflag:s24], $0x1  }
0xa9: {  	[sflag:s24] =	ssyncset.done $0x0  }
0xaa: {  	s25 =	simm.s32 $0x1B8E;
	[sflag:s24] =	ssyncadd.s32 $0xFFFFFFFF  }
0xab: {  	s26 =	simm.s32 $execute0_lowered;
	[smem:$0x3FD2] =	sst s25  }
0xac: {  	s5 =	sshll.u32 s26, $0x1;
	_ =	strace $0x80000046;
	[dreg:$0x1] =	wrdreg $0xFFFFFFFF  }
0xad: {  	s28 =	simm.s32 $_size_execute0_lowered;
	s4 =	sadd.s32 s4, s5;
	[dreg:$0x0] =	wrdreg $0x0  }
0xae: {  	s5 =	sshll.u32 s28, $0x1;
	[dreg:$0x2] =	wrdreg s4  }
0xaf: {  	[dreg:$0x3] =	wrdreg s5  }
0xb0: {  	[dreg:$0x4] =	wrdreg $0xC0  }
0xb1: {  	_ =	task [dreg:s8], $0x5FFFF  }
0xb2: {  	[dreg:$0x1] =	wrdreg $0xFFFFFFFF  }
0xb3: {  	[dreg:$0x0] =	wrdreg $0x60  }
0xb4: {  	[dreg:$0x2] =	wrdreg s16  }
0xb5: {  	[dreg:$0x3] =	wrdreg s17  }
0xb6: {  	[dreg:$0x4] =	wrdreg $0x9  }
0xb7: {  	_ =	task.clear_ibuf [dreg:s8], $0x5FFFF;
	_ =	strace $0x90000046  }
0xb8: {  	s29 =	simm.s32 $0x9;
	_ =	strace $0x80000048  }
0xb9: {  	_ =	swait.ge [sflag:s29], $0x1  }
0xba: {  	[sflag:s29] =	ssyncadd.s32 $0xFFFFFFFF  }
0xbb: {  	_ =	strace $0x90000048  }
0xbc: {  	_ =	sfence  }
0xbd: {  	s30 =	sld [smem:$0x0];
	_ =	sdelay $0x2  }
0xbe: {  	s31 =	sshll.u32 s1, $0xD;
	s1 =	sshrl.u32 s1, $0x2  }
0xbf: {  	s3 =	sand.u32 $0x4000, s31;
	s1 =	sadd.s32 s1, s30  }
0xc0: {  	s0 =	sor.u32 s3, s0;
	s1 =	sshll.u32 s1, $0x11  }
0xc1: {  	s0 =	sor.u32 s1, s0  }
0xc2: {  	s0 =	sadd.s32 $0x8F2B, s0  }
0xc3: {  	[sflag:s0] =	ssyncadd.remote.s32 $0x1  }
0xc4: {  	_ =	sfence.sel $0xFFFF  }
0xc5: {  	[dreg:$0x0] =	wrdreg $0xFFFFFFFF;
	(pc) =	sbr.abs _section_cstart, $3  }
0xc6: {  	[dreg:$0x1] =	wrdreg $0xFFFFFFFF  }
0xc7: {  	_ =	task.clear_ibuf [dreg:s8], $0x2FFFF;
	_ =	strace $0x9FFFFFFF  }
0xc8: {  	(tm) =	ssettm $0x7FFFFFFF  }
0xc9: {  	_ =	shalt  }
tec
execute0_lowered:
.L_overlay_start_1:
0x0: {  	(tag) =	ssettag $0x1  }
0x1: {  	s1 =	srdreg.scid  }
0x2: {  	s12 =	stileid.u32;
	s1 =	sand.u32 $0x1, s1  }
0x3: {  	s4 =	sshll.u32 s12, $0xB;
	s6 =	sshll.u32 s1, $0xA  }
0x4: {  	s4 =	sor.u32 s6, s4  }
0x5: {  	p1 =	seq.s32 s1, $0x1;
	p0 =	seq.s32 s4, $0x0  }
0x6: {  	p0 =	por !p0, !p1  }
0x7: {  	s8 =	simm.s32 $0x1;
	p0 =	por !p0, !p0  }
0x8: {  	v4 =	vlaneseq.u32;
	s18 =	sor.u32 $0x3C0, s6;
	s8 =	simm.s32 @!p0 $0x0  }
0x9: {  	s0 =	rddreg [dreg:$0x0];
	v0 =	vmul.u32 $0x80, v4;
	v1 =	vmov s18;
	s8 =	ssub.s32 s12, s8  }
0xa: {  	s2 =	rddreg [dreg:$0x1];
	s3 =	simm.s32 $0x0;
	v3 =	vshll.u32 v1, $0x7;
	v2 =	vmov s8  }
0xb: {  	s14 =	simm.s32 $0xB800;
	s13 =	simm.s32 $0xC800;
	s23 =	sor.u32 $0x3E0, s6;
	v3 =	vor.u32 v0, v3;
	v1 =	vshll.u32 v2, $0x3  }
0xc: {  	s17 =	simm.s32 $0xD000;
	s28 =	simm.s32 $0x5;
	s24 =	sor.u32 $0x3F0, s6;
	v5 =	vmov s23;
	v3 =	vadd.s32 v3, v1  }
0xd: {  	s29 =	simm.s32 $0x6;
	s30 =	simm.s32 $0x7;
	s22 =	sor.u32 $0x3D0, s6;
	v7 =	vmov s24;
	v2 =	vand.u32 $0x7, v2;
	v3 =	vand.u32 $0xFFFFFFC0, v3  }
0xe: {  	s31 =	simm.s32 $0x8;
	[smem:$0x7FF] =	sst s3;
	s11 =	sadd.s32 $0x300, s2;
	v5 =	vshll.u32 v5, $0x7;
	v6 =	vor.u32 v2, v3;
	v3 =	vmov s22  }
0xf: {  	s21 =	sshll.u32 s12, $0x12;
	s5 =	ssub.s32 $0x2, s1;
	_ =	strace $0x80000047;
	v7 =	vshll.u32 v7, $0x7;
	v5 =	vor.u32 v0, v5;
	v3 =	vshll.u32 v3, $0x7  }
0x10: {  	s1 =	sshll.u32 s1, $0x11;
	s7 =	sshrl.u32 s5, $0x1;
	s26 =	sor.u32 $0x30, s6;
	v7 =	vor.u32 v0, v7;
	v5 =	vadd.s32 v5, v1;
	v3 =	vor.u32 v0, v3  }
0x11: {  	s7 =	ssub.s32 s5, s7;
	s4 =	sshll.u32 s4, $0x7;
	s5 =	simm.s32 $0x1;
	v7 =	vadd.s32 v7, v1;
	v5 =	vand.u32 $0xFFFFFFC0, v5;
	v3 =	vadd.s32 v3, v1  }
0x12: {  	[dreg:$0x9] =	wrdreg s26;
	s24 =	simm.s32 $0x2;
	s26 =	simm.s32 $0xB000;
	v7 =	vand.u32 $0xFFFFFFC0, v7;
	v9 =	vor.u32 v2, v5;
	v3 =	vand.u32 $0xFFFFFFC0, v3  }
0x13: {  	s18 =	simm.s32 $0x4;
	s23 =	simm.s32 $0xF800;
	s9 =	sadd.s32 s0, s4;
	v10 =	vor.u32 v2, v7;
	v8 =	vor.u32 v2, v3;
	v3 =	vand.u32 $0x7, v4  }
0x14: {  	s0 =	sadd.s32 s21, s0;
	s25 =	smax.u32 s7, $0x1;
	[dreg:$0x4] =	wrdreg s9;
	v5 =	vshrl.u32 v4, $0x3;
	v4 =	vor.u32 $0x8, v4;
	v7 =	vperm.xlane v6, v3  }
0x15: {  	s21 =	simm.s32 $0xE800;
	s10 =	sadd.s32 $0x800, s9;
	[dreg:$0x8] =	wrdreg s25;
	v11 =	vperm.xlane v6, v4;
	v12 =	vperm.xlane v8, v3  }
0x16: {  	s4 =	simm.s32 $0x0;
	s19 =	sadd.s32 $0x1000, s9;
	[dreg:$0x5] =	wrdreg s10;
	v5 =	vmul.u32 $0x8, v5;
	v13 =	vperm.xlane v8, v4;
	v14 =	vperm.xlane v9, v3  }
0x17: {  	vm0 =	vmmov $0xffff;
	s20 =	sadd.s32 $0x1800, s9;
	s9 =	sadd.s32 $0x100, s2;
	[dreg:$0x6] =	wrdreg s19;
	v15 =	vperm.xlane v9, v4;
	v16 =	vperm.xlane v10, v3  }
0x18: {  	s0 =	sadd.s32 s1, s0;
	s1 =	simm.s32 $0x3;
	[dreg:$0x7] =	wrdreg s20;
	v17 =	vperm.xlane v10, v4;
	v6 =	vadd.s32 v5, v7;
	v7 =	vadd.s32 v5, v11  }
0x19: {  	s25 =	simm.s32 $0xA800;
	s10 =	sadd.s32 $0x200, s2;
	[dreg:$0x3] =	wrdreg s0;
	v8 =	vadd.s32 v5, v12;
	v9 =	vadd.s32 v5, v13;
	v10 =	vadd.s32 v5, v14  }
0x1a: {  	s19 =	simm.s32 $0xD800;
	s20 =	simm.s32 $0xE000;
	s22 =	simm.s32 $0xF000;
	v11 =	vadd.s32 v5, v15;
	v12 =	vadd.s32 v5, v16;
	v13 =	vadd.s32 v5, v17  }
.LBB2_1:
0x1b: {  	s6 =	rddreg [dreg:$0x9]  }
0x1c: {  	s0 =	sadd.s32 $0xFFFFFFD0, s6  }
0x1d: {  	v14 =	vmov s0  }
0x1e: {  	[dreg:$0xa] =	wrdreg s4;
	v14 =	vshll.u32 v14, $0x7  }
0x1f: {  	s8 =	rddreg [dreg:$0x4];
	v14 =	vor.u32 v0, v14  }
0x20: {  	[tilespmem:s3], [sflag:$0x1] =	stream.linear.gather [hbm4b:s8+s3], $0x4000, $0x38;
	v14 =	vadd.s32 v1, v14;
	[tilespmem:$0x10000] =	vst v63  }
0x21: {  	s12 =	rddreg [dreg:$0x5];
	s7 =	simm.s32 $0x4000;
	v14 =	vand.u32 $0xFFFFFFC0, v14  }
0x22: {  	[tilespmem:s7], [sflag:$0x2] =	stream.linear.gather [hbm4b:s12+s3], $0x4000, $0x38;
	v14 =	vor.u32 v2, v14;
	[tilespmem:$0x10000] =	vst v63  }
0x23: {  	s15 =	rddreg [dreg:$0x6];
	s12 =	simm.s32 $0x8000;
	v15 =	vperm.xlane v14, v3  }
0x24: {  	[tilespmem:s12], [sflag:$0x3] =	stream.linear.gather [hbm4b:s15+s3], $0x4000, $0x38;
	[tilespmem:$0x10000] =	vst v63  }
0x25: {  	s16 =	rddreg [dreg:$0x7];
	s4 =	simm.s32 $0xC000;
	v15 =	vadd.s32 v5, v15  }
0x26: {  	[tilespmem:s4], [sflag:$0x4] =	stream.linear.gather [hbm4b:s16+s3], $0x4000, $0x38;
	[tilespmem:$0x10000] =	vst v63  }
0x27: {  	_ =	swait.ge [sflag:s5], $0x4000  }
0x28: {  	[sflag:s5] =	ssyncset.done $0x0  }
0x29: {  	[sflag:s5] =	ssyncadd.s32 $0xFFFFC000  }
0x2a: {  	[hbm4b:s2+s3] =	stream.indirect_vreg.scatter [tilespmem:s3], [sflag:$0x5], $0x80, v15, vm0, $0xb8;
	[tilespmem:$0x10000] =	vst v63  }
0x2b: {  	s8 =	simm.s32 $0x800;
	v14 =	vperm.xlane v14, v4  }
0x2c: {  	[hbm4b:s9+s3] =	stream.indirect_vreg.scatter [tilespmem:s8], [sflag:$0x5], $0x80, v15, vm0, $0xb8;
	[tilespmem:$0x10000] =	vst v63  }
0x2d: {  	s15 =	sadd.s32 $0xFFFFFFE0, s6;
	v14 =	vadd.s32 v5, v14;
	s8 =	simm.s32 $0x1000  }
0x2e: {  	[hbm4b:s10+s3] =	stream.indirect_vreg.scatter [tilespmem:s8], [sflag:$0x5], $0x80, v15, vm0, $0xb8;
	[tilespmem:$0x10000] =	vst v63  }
0x2f: {  	v16 =	vmov s15;
	s16 =	simm.s32 $0x1800  }
0x30: {  	v16 =	vshll.u32 v16, $0x7;
	[hbm4b:s11+s3] =	stream.indirect_vreg.scatter [tilespmem:s16], [sflag:$0x5], $0x80, v15, vm0, $0xb8;
	[tilespmem:$0x10000] =	vst v63  }
0x31: {  	s8 =	simm.s32 $0x2000;
	v15 =	vor.u32 v0, v16  }
0x32: {  	v15 =	vadd.s32 v1, v15;
	[hbm4b:s2+s3] =	stream.indirect_vreg.scatter [tilespmem:s8], [sflag:$0x5], $0x80, v14, vm0, $0xb8;
	[tilespmem:$0x10000] =	vst v63  }
0x33: {  	s15 =	simm.s32 $0x2800;
	v15 =	vand.u32 $0xFFFFFFC0, v15  }
0x34: {  	v15 =	vor.u32 v2, v15;
	[hbm4b:s9+s3] =	stream.indirect_vreg.scatter [tilespmem:s15], [sflag:$0x5], $0x80, v14, vm0, $0xb8;
	[tilespmem:$0x10000] =	vst v63  }
0x35: {  	s16 =	simm.s32 $0x3000;
	v16 =	vperm.xlane v15, v3  }
0x36: {  	[hbm4b:s10+s3] =	stream.indirect_vreg.scatter [tilespmem:s16], [sflag:$0x5], $0x80, v14, vm0, $0xb8;
	[tilespmem:$0x10000] =	vst v63  }
0x37: {  	s8 =	simm.s32 $0x3800;
	v16 =	vadd.s32 v5, v16  }
0x38: {  	[hbm4b:s11+s3] =	stream.indirect_vreg.scatter [tilespmem:s8], [sflag:$0x5], $0x80, v14, vm0, $0xb8;
	[tilespmem:$0x10000] =	vst v63  }
0x39: {  	_ =	swait.ge [sflag:s24], $0x4000  }
0x3a: {  	[sflag:s24] =	ssyncset.done $0x0  }
0x3b: {  	[sflag:s24] =	ssyncadd.s32 $0xFFFFC000  }
0x3c: {  	[hbm4b:s2+s3] =	stream.indirect_vreg.scatter [tilespmem:s7], [sflag:$0x6], $0x80, v16, vm0, $0xb8;
	[tilespmem:$0x10000] =	vst v63  }
0x3d: {  	s15 =	simm.s32 $0x4800;
	v14 =	vperm.xlane v15, v4  }
0x3e: {  	[hbm4b:s9+s3] =	stream.indirect_vreg.scatter [tilespmem:s15], [sflag:$0x6], $0x80, v16, vm0, $0xb8;
	[tilespmem:$0x10000] =	vst v63  }
0x3f: {  	s16 =	sadd.s32 $0xFFFFFFF0, s6;
	v14 =	vadd.s32 v5, v14;
	s15 =	simm.s32 $0x5000  }
0x40: {  	[hbm4b:s10+s3] =	stream.indirect_vreg.scatter [tilespmem:s15], [sflag:$0x6], $0x80, v16, vm0, $0xb8;
	[tilespmem:$0x10000] =	vst v63  }
0x41: {  	v15 =	vmov s16;
	s16 =	simm.s32 $0x5800  }
0x42: {  	v15 =	vshll.u32 v15, $0x7;
	[hbm4b:s11+s3] =	stream.indirect_vreg.scatter [tilespmem:s16], [sflag:$0x6], $0x80, v16, vm0, $0xb8;
	[tilespmem:$0x10000] =	vst v63  }
0x43: {  	s8 =	simm.s32 $0x6000;
	v15 =	vor.u32 v0, v15  }
0x44: {  	v15 =	vadd.s32 v1, v15;
	[hbm4b:s2+s3] =	stream.indirect_vreg.scatter [tilespmem:s8], [sflag:$0x6], $0x80, v14, vm0, $0xb8;
	[tilespmem:$0x10000] =	vst v63  }
0x45: {  	v15 =	vand.u32 $0xFFFFFFC0, v15;
	s15 =	simm.s32 $0x6800  }
0x46: {  	v15 =	vor.u32 v2, v15;
	[hbm4b:s9+s3] =	stream.indirect_vreg.scatter [tilespmem:s15], [sflag:$0x6], $0x80, v14, vm0, $0xb8;
	[tilespmem:$0x10000] =	vst v63  }
0x47: {  	v16 =	vperm.xlane v15, v3;
	s16 =	simm.s32 $0x7000  }
0x48: {  	[hbm4b:s10+s3] =	stream.indirect_vreg.scatter [tilespmem:s16], [sflag:$0x6], $0x80, v14, vm0, $0xb8;
	[tilespmem:$0x10000] =	vst v63  }
0x49: {  	v16 =	vadd.s32 v5, v16;
	s8 =	simm.s32 $0x7800  }
0x4a: {  	[hbm4b:s11+s3] =	stream.indirect_vreg.scatter [tilespmem:s8], [sflag:$0x6], $0x80, v14, vm0, $0xb8;
	[tilespmem:$0x10000] =	vst v63  }
0x4b: {  	_ =	swait.ge [sflag:s1], $0x4000  }
0x4c: {  	[sflag:s1] =	ssyncset.done $0x0  }
0x4d: {  	[sflag:s1] =	ssyncadd.s32 $0xFFFFC000  }
0x4e: {  	[hbm4b:s2+s3] =	stream.indirect_vreg.scatter [tilespmem:s12], [sflag:$0x7], $0x80, v16, vm0, $0xb8;
	[tilespmem:$0x10000] =	vst v63  }
0x4f: {  	s15 =	simm.s32 $0x8800;
	v14 =	vperm.xlane v15, v4  }
0x50: {  	[hbm4b:s9+s3] =	stream.indirect_vreg.scatter [tilespmem:s15], [sflag:$0x7], $0x80, v16, vm0, $0xb8;
	[tilespmem:$0x10000] =	vst v63  }
0x51: {  	s16 =	simm.s32 $0x9000;
	v14 =	vadd.s32 v5, v14  }
0x52: {  	[hbm4b:s10+s3] =	stream.indirect_vreg.scatter [tilespmem:s16], [sflag:$0x7], $0x80, v16, vm0, $0xb8;
	[tilespmem:$0x10000] =	vst v63  }
0x53: {  	v15 =	vmov s6;
	s8 =	simm.s32 $0x9800  }
0x54: {  	v15 =	vshll.u32 v15, $0x7;
	[hbm4b:s11+s3] =	stream.indirect_vreg.scatter [tilespmem:s8], [sflag:$0x7], $0x80, v16, vm0, $0xb8;
	[tilespmem:$0x10000] =	vst v63  }
0x55: {  	v15 =	vor.u32 v0, v15;
	s15 =	simm.s32 $0xA000  }
0x56: {  	v15 =	vadd.s32 v1, v15;
	[hbm4b:s2+s3] =	stream.indirect_vreg.scatter [tilespmem:s15], [sflag:$0x7], $0x80, v14, vm0, $0xb8;
	[tilespmem:$0x10000] =	vst v63  }
0x57: {  	v15 =	vand.u32 $0xFFFFFFC0, v15  }
0x58: {  	v15 =	vor.u32 v2, v15;
	[hbm4b:s9+s3] =	stream.indirect_vreg.scatter [tilespmem:s25], [sflag:$0x7], $0x80, v14, vm0, $0xb8;
	[tilespmem:$0x10000] =	vst v63  }
0x59: {  	v16 =	vperm.xlane v15, v3  }
0x5a: {  	[hbm4b:s10+s3] =	stream.indirect_vreg.scatter [tilespmem:s26], [sflag:$0x7], $0x80, v14, vm0, $0xb8;
	[tilespmem:$0x10000] =	vst v63  }
0x5b: {  	v16 =	vadd.s32 v5, v16  }
0x5c: {  	[hbm4b:s11+s3] =	stream.indirect_vreg.scatter [tilespmem:s14], [sflag:$0x7], $0x80, v14, vm0, $0xb8;
	[tilespmem:$0x10000] =	vst v63  }
0x5d: {  	_ =	swait.ge [sflag:s18], $0x4000  }
0x5e: {  	[sflag:s18] =	ssyncset.done $0x0  }
0x5f: {  	[sflag:s18] =	ssyncadd.s32 $0xFFFFC000  }
0x60: {  	[hbm4b:s2+s3] =	stream.indirect_vreg.scatter [tilespmem:s4], [sflag:$0x8], $0x80, v16, vm0, $0xb8;
	[tilespmem:$0x10000] =	vst v63  }
0x61: {  	v14 =	vperm.xlane v15, v4  }
0x62: {  	[hbm4b:s9+s3] =	stream.indirect_vreg.scatter [tilespmem:s13], [sflag:$0x8], $0x80, v16, vm0, $0xb8;
	[tilespmem:$0x10000] =	vst v63  }
0x63: {  	v14 =	vadd.s32 v5, v14  }
0x64: {  	[hbm4b:s10+s3] =	stream.indirect_vreg.scatter [tilespmem:s17], [sflag:$0x8], $0x80, v16, vm0, $0xb8;
	[tilespmem:$0x10000] =	vst v63  }
0x65: {  	_ = 	snop  }
0x66: {  	[hbm4b:s11+s3] =	stream.indirect_vreg.scatter [tilespmem:s19], [sflag:$0x8], $0x80, v16, vm0, $0xb8;
	[tilespmem:$0x10000] =	vst v63  }
0x67: {  	_ = 	snop  }
0x68: {  	[hbm4b:s2+s3] =	stream.indirect_vreg.scatter [tilespmem:s20], [sflag:$0x8], $0x80, v14, vm0, $0xb8;
	[tilespmem:$0x10000] =	vst v63  }
0x69: {  	_ = 	snop  }
0x6a: {  	[hbm4b:s9+s3] =	stream.indirect_vreg.scatter [tilespmem:s21], [sflag:$0x8], $0x80, v14, vm0, $0xb8;
	[tilespmem:$0x10000] =	vst v63  }
0x6b: {  	_ = 	snop  }
0x6c: {  	[hbm4b:s10+s3] =	stream.indirect_vreg.scatter [tilespmem:s22], [sflag:$0x8], $0x80, v14, vm0, $0xb8;
	[tilespmem:$0x10000] =	vst v63  }
0x6d: {  	_ = 	snop  }
0x6e: {  	[hbm4b:s11+s3] =	stream.indirect_vreg.scatter [tilespmem:s23], [sflag:$0x8], $0x80, v14, vm0, $0xb8;
	[tilespmem:$0x10000] =	vst v63  }
0x6f: {  	_ =	swait.ge [sflag:s28], $0x4000  }
0x70: {  	s16 =	rddreg [dreg:$0x3]  }
0x71: {  	[sflag:s28] =	ssyncset.done $0x0;
	s8 =	sadd.s32 $0x0, s16  }
0x72: {  	[sflag:s28] =	ssyncadd.s32 $0xFFFFC000;
	s0 =	sadd.s32 $0x2000, s8  }
0x73: {  	[tilespmem:s3], [sflag:$0x1] =	stream.linear.gather [hbm4b:s0+s3], $0x4000, $0x38;
	[tilespmem:$0x10000] =	vst v63  }
0x74: {  	s6 =	sadd.s32 $0x40, s6;
	_ =	swait.ge [sflag:s29], $0x4000  }
0x75: {  	s4 =	sadd.s32 $0xFFFFFFD0, s6;
	[sflag:s29] =	ssyncset.done $0x0  }
0x76: {  	v14 =	vmov s4;
	s15 =	sadd.s32 $0x2800, s8;
	[sflag:s29] =	ssyncadd.s32 $0xFFFFC000  }
0x77: {  	v14 =	vshll.u32 v14, $0x7;
	[tilespmem:s7], [sflag:$0x2] =	stream.linear.gather [hbm4b:s15+s3], $0x4000, $0x38;
	[tilespmem:$0x10000] =	vst v63  }
0x78: {  	v14 =	vor.u32 v0, v14;
	_ =	swait.ge [sflag:s30], $0x4000  }
0x79: {  	v14 =	vadd.s32 v1, v14;
	[sflag:s30] =	ssyncset.done $0x0  }
0x7a: {  	v14 =	vand.u32 $0xFFFFFFC0, v14;
	s16 =	sadd.s32 $0x3000, s8;
	[sflag:s30] =	ssyncadd.s32 $0xFFFFC000  }
0x7b: {  	v14 =	vor.u32 v2, v14;
	[tilespmem:s12], [sflag:$0x3] =	stream.linear.gather [hbm4b:s16+s3], $0x4000, $0x38;
	[tilespmem:$0x10000] =	vst v63  }
0x7c: {  	v16 =	vperm.xlane v14, v3;
	_ =	swait.ge [sflag:s31], $0x4000  }
0x7d: {  	s8 =	sadd.s32 $0x3800, s8;
	[sflag:s31] =	ssyncset.done $0x0  }
0x7e: {  	s0 =	simm.s32 $0x2000;
	v15 =	vperm.xlane v14, v4;
	v14 =	vadd.s32 v5, v16;
	s7 =	simm.s32 $0x4000;
	[sflag:s31] =	ssyncadd.s32 $0xFFFFC000  }
.LBB2_2:
0x7f: {  	s4 =	simm.s32 $0xC000  }
0x80: {  	[tilespmem:s4], [sflag:$0x4] =	stream.linear.gather [hbm4b:s8+s3], $0x4000, $0x38;
	[tilespmem:$0x10000] =	vst v63  }
0x81: {  	_ =	swait.ge [sflag:s5], $0x4000  }
0x82: {  	[sflag:s5] =	ssyncset.done $0x0  }
0x83: {  	[sflag:s5] =	ssyncadd.s32 $0xFFFFC000  }
0x84: {  	[hbm4b:s2+s3] =	stream.indirect_vreg.scatter [tilespmem:s3], [sflag:$0x5], $0x80, v14, vm0, $0xb8;
	[tilespmem:$0x10000] =	vst v63  }
0x85: {  	s12 =	simm.s32 $0x800  }
0x86: {  	[hbm4b:s9+s3] =	stream.indirect_vreg.scatter [tilespmem:s12], [sflag:$0x5], $0x80, v14, vm0, $0xb8;
	[tilespmem:$0x10000] =	vst v63  }
0x87: {  	s16 =	sadd.s32 $0xFFFFFFE0, s6;
	s15 =	simm.s32 $0x1000;
	v15 =	vadd.s32 v5, v15  }
0x88: {  	[hbm4b:s10+s3] =	stream.indirect_vreg.scatter [tilespmem:s15], [sflag:$0x5], $0x80, v14, vm0, $0xb8;
	[tilespmem:$0x10000] =	vst v63  }
0x89: {  	v16 =	vmov s16;
	s15 =	simm.s32 $0x1800  }
0x8a: {  	v16 =	vshll.u32 v16, $0x7;
	[hbm4b:s11+s3] =	stream.indirect_vreg.scatter [tilespmem:s15], [sflag:$0x5], $0x80, v14, vm0, $0xb8;
	[tilespmem:$0x10000] =	vst v63  }
0x8b: {  	s16 =	simm.s32 $0x2000;
	v14 =	vor.u32 v0, v16  }
0x8c: {  	v14 =	vadd.s32 v1, v14;
	[hbm4b:s2+s3] =	stream.indirect_vreg.scatter [tilespmem:s16], [sflag:$0x5], $0x80, v15, vm0, $0xb8;
	[tilespmem:$0x10000] =	vst v63  }
0x8d: {  	s15 =	simm.s32 $0x2800;
	v14 =	vand.u32 $0xFFFFFFC0, v14  }
0x8e: {  	v14 =	vor.u32 v2, v14;
	[hbm4b:s9+s3] =	stream.indirect_vreg.scatter [tilespmem:s15], [sflag:$0x5], $0x80, v15, vm0, $0xb8;
	[tilespmem:$0x10000] =	vst v63  }
0x8f: {  	s16 =	simm.s32 $0x3000;
	v16 =	vperm.xlane v14, v3  }
0x90: {  	[hbm4b:s10+s3] =	stream.indirect_vreg.scatter [tilespmem:s16], [sflag:$0x5], $0x80, v15, vm0, $0xb8;
	[tilespmem:$0x10000] =	vst v63  }
0x91: {  	s15 =	simm.s32 $0x3800;
	v16 =	vadd.s32 v5, v16  }
0x92: {  	[hbm4b:s11+s3] =	stream.indirect_vreg.scatter [tilespmem:s15], [sflag:$0x5], $0x80, v15, vm0, $0xb8;
	[tilespmem:$0x10000] =	vst v63  }
0x93: {  	_ =	swait.ge [sflag:s24], $0x4000  }
0x94: {  	[sflag:s24] =	ssyncset.done $0x0  }
0x95: {  	s15 =	simm.s32 $0x4000;
	[sflag:s24] =	ssyncadd.s32 $0xFFFFC000  }
0x96: {  	[hbm4b:s2+s3] =	stream.indirect_vreg.scatter [tilespmem:s15], [sflag:$0x6], $0x80, v16, vm0, $0xb8;
	[tilespmem:$0x10000] =	vst v63  }
0x97: {  	v14 =	vperm.xlane v14, v4;
	s16 =	simm.s32 $0x4800  }
0x98: {  	[hbm4b:s9+s3] =	stream.indirect_vreg.scatter [tilespmem:s16], [sflag:$0x6], $0x80, v16, vm0, $0xb8;
	[tilespmem:$0x10000] =	vst v63  }
0x99: {  	s12 =	sadd.s32 $0xFFFFFFF0, s6;
	v14 =	vadd.s32 v5, v14;
	s16 =	simm.s32 $0x5000  }
0x9a: {  	[hbm4b:s10+s3] =	stream.indirect_vreg.scatter [tilespmem:s16], [sflag:$0x6], $0x80, v16, vm0, $0xb8;
	[tilespmem:$0x10000] =	vst v63  }
0x9b: {  	v15 =	vmov s12;
	s16 =	simm.s32 $0x5800  }
0x9c: {  	v15 =	vshll.u32 v15, $0x7;
	[hbm4b:s11+s3] =	stream.indirect_vreg.scatter [tilespmem:s16], [sflag:$0x6], $0x80, v16, vm0, $0xb8;
	[tilespmem:$0x10000] =	vst v63  }
0x9d: {  	v15 =	vor.u32 v0, v15;
	s16 =	simm.s32 $0x6000  }
0x9e: {  	v15 =	vadd.s32 v1, v15;
	[hbm4b:s2+s3] =	stream.indirect_vreg.scatter [tilespmem:s16], [sflag:$0x6], $0x80, v14, vm0, $0xb8;
	[tilespmem:$0x10000] =	vst v63  }
0x9f: {  	v15 =	vand.u32 $0xFFFFFFC0, v15;
	s16 =	simm.s32 $0x6800  }
0xa0: {  	v15 =	vor.u32 v2, v15;
	[hbm4b:s9+s3] =	stream.indirect_vreg.scatter [tilespmem:s16], [sflag:$0x6], $0x80, v14, vm0, $0xb8;
	[tilespmem:$0x10000] =	vst v63  }
0xa1: {  	v16 =	vperm.xlane v15, v3;
	s16 =	simm.s32 $0x7000  }
0xa2: {  	[hbm4b:s10+s3] =	stream.indirect_vreg.scatter [tilespmem:s16], [sflag:$0x6], $0x80, v14, vm0, $0xb8;
	[tilespmem:$0x10000] =	vst v63  }
0xa3: {  	v16 =	vadd.s32 v5, v16;
	s16 =	simm.s32 $0x7800  }
0xa4: {  	[hbm4b:s11+s3] =	stream.indirect_vreg.scatter [tilespmem:s16], [sflag:$0x6], $0x80, v14, vm0, $0xb8;
	[tilespmem:$0x10000] =	vst v63  }
0xa5: {  	_ =	swait.ge [sflag:s1], $0x4000  }
0xa6: {  	[sflag:s1] =	ssyncset.done $0x0  }
0xa7: {  	s16 =	simm.s32 $0x8000;
	[sflag:s1] =	ssyncadd.s32 $0xFFFFC000  }
0xa8: {  	[hbm4b:s2+s3] =	stream.indirect_vreg.scatter [tilespmem:s16], [sflag:$0x7], $0x80, v16, vm0, $0xb8;
	[tilespmem:$0x10000] =	vst v63  }
0xa9: {  	s12 =	simm.s32 $0x8800;
	v15 =	vperm.xlane v15, v4  }
0xaa: {  	[hbm4b:s9+s3] =	stream.indirect_vreg.scatter [tilespmem:s12], [sflag:$0x7], $0x80, v16, vm0, $0xb8;
	[tilespmem:$0x10000] =	vst v63  }
0xab: {  	v14 =	vadd.s32 v5, v15;
	s12 =	simm.s32 $0x9000  }
0xac: {  	[hbm4b:s10+s3] =	stream.indirect_vreg.scatter [tilespmem:s12], [sflag:$0x7], $0x80, v16, vm0, $0xb8;
	[tilespmem:$0x10000] =	vst v63  }
0xad: {  	v15 =	vmov s6;
	s12 =	simm.s32 $0x9800  }
0xae: {  	v15 =	vshll.u32 v15, $0x7;
	[hbm4b:s11+s3] =	stream.indirect_vreg.scatter [tilespmem:s12], [sflag:$0x7], $0x80, v16, vm0, $0xb8;
	[tilespmem:$0x10000] =	vst v63  }
0xaf: {  	v15 =	vor.u32 v0, v15;
	s12 =	simm.s32 $0xA000  }
0xb0: {  	v15 =	vadd.s32 v1, v15;
	[hbm4b:s2+s3] =	stream.indirect_vreg.scatter [tilespmem:s12], [sflag:$0x7], $0x80, v14, vm0, $0xb8;
	[tilespmem:$0x10000] =	vst v63  }
0xb1: {  	v15 =	vand.u32 $0xFFFFFFC0, v15  }
0xb2: {  	v15 =	vor.u32 v2, v15;
	[hbm4b:s9+s3] =	stream.indirect_vreg.scatter [tilespmem:s25], [sflag:$0x7], $0x80, v14, vm0, $0xb8;
	[tilespmem:$0x10000] =	vst v63  }
0xb3: {  	v16 =	vperm.xlane v15, v3  }
0xb4: {  	[hbm4b:s10+s3] =	stream.indirect_vreg.scatter [tilespmem:s26], [sflag:$0x7], $0x80, v14, vm0, $0xb8;
	[tilespmem:$0x10000] =	vst v63  }
0xb5: {  	v16 =	vadd.s32 v5, v16  }
0xb6: {  	[hbm4b:s11+s3] =	stream.indirect_vreg.scatter [tilespmem:s14], [sflag:$0x7], $0x80, v14, vm0, $0xb8;
	[tilespmem:$0x10000] =	vst v63  }
0xb7: {  	_ =	swait.ge [sflag:s18], $0x4000  }
0xb8: {  	[sflag:s18] =	ssyncset.done $0x0  }
0xb9: {  	[sflag:s18] =	ssyncadd.s32 $0xFFFFC000  }
0xba: {  	[hbm4b:s2+s3] =	stream.indirect_vreg.scatter [tilespmem:s4], [sflag:$0x8], $0x80, v16, vm0, $0xb8;
	[tilespmem:$0x10000] =	vst v63  }
0xbb: {  	v15 =	vperm.xlane v15, v4  }
0xbc: {  	[hbm4b:s9+s3] =	stream.indirect_vreg.scatter [tilespmem:s13], [sflag:$0x8], $0x80, v16, vm0, $0xb8;
	[tilespmem:$0x10000] =	vst v63  }
0xbd: {  	v14 =	vadd.s32 v5, v15  }
0xbe: {  	[hbm4b:s10+s3] =	stream.indirect_vreg.scatter [tilespmem:s17], [sflag:$0x8], $0x80, v16, vm0, $0xb8;
	[tilespmem:$0x10000] =	vst v63  }
0xbf: {  	_ = 	snop  }
0xc0: {  	[hbm4b:s11+s3] =	stream.indirect_vreg.scatter [tilespmem:s19], [sflag:$0x8], $0x80, v16, vm0, $0xb8;
	[tilespmem:$0x10000] =	vst v63  }
0xc1: {  	_ = 	snop  }
0xc2: {  	[hbm4b:s2+s3] =	stream.indirect_vreg.scatter [tilespmem:s20], [sflag:$0x8], $0x80, v14, vm0, $0xb8;
	[tilespmem:$0x10000] =	vst v63  }
0xc3: {  	_ = 	snop  }
0xc4: {  	[hbm4b:s9+s3] =	stream.indirect_vreg.scatter [tilespmem:s21], [sflag:$0x8], $0x80, v14, vm0, $0xb8;
	[tilespmem:$0x10000] =	vst v63  }
0xc5: {  	_ = 	snop  }
0xc6: {  	[hbm4b:s10+s3] =	stream.indirect_vreg.scatter [tilespmem:s22], [sflag:$0x8], $0x80, v14, vm0, $0xb8;
	[tilespmem:$0x10000] =	vst v63  }
0xc7: {  	_ = 	snop  }
0xc8: {  	[hbm4b:s11+s3] =	stream.indirect_vreg.scatter [tilespmem:s23], [sflag:$0x8], $0x80, v14, vm0, $0xb8;
	[tilespmem:$0x10000] =	vst v63  }
0xc9: {  	_ =	swait.ge [sflag:s28], $0x4000  }
0xca: {  	s4 =	rddreg [dreg:$0x3]  }
0xcb: {  	[sflag:s28] =	ssyncset.done $0x0;
	s12 =	sadd.s32 s0, s4  }
0xcc: {  	[sflag:s28] =	ssyncadd.s32 $0xFFFFC000;
	s4 =	sadd.s32 $0x2000, s12  }
0xcd: {  	[tilespmem:s3], [sflag:$0x1] =	stream.linear.gather [hbm4b:s4+s3], $0x4000, $0x38;
	[tilespmem:$0x10000] =	vst v63  }
0xce: {  	s6 =	sadd.s32 $0x40, s6;
	_ =	swait.ge [sflag:s29], $0x4000  }
0xcf: {  	s4 =	sadd.s32 $0xFFFFFFD0, s6;
	[sflag:s29] =	ssyncset.done $0x0  }
0xd0: {  	v14 =	vmov s4;
	s4 =	sadd.s32 $0x2800, s12;
	[sflag:s29] =	ssyncadd.s32 $0xFFFFC000  }
0xd1: {  	v14 =	vshll.u32 v14, $0x7;
	[tilespmem:s15], [sflag:$0x2] =	stream.linear.gather [hbm4b:s4+s3], $0x4000, $0x38;
	[tilespmem:$0x10000] =	vst v63  }
0xd2: {  	v14 =	vor.u32 v0, v14;
	_ =	swait.ge [sflag:s30], $0x4000  }
0xd3: {  	p0 =	sne.s32 s7, $0x1C000;
	v14 =	vadd.s32 v1, v14;
	[sflag:s30] =	ssyncset.done $0x0  }
.Ltmp0:
0xd4: {  	s15 =	sadd.s32 $0x3000, s12;
	v14 =	vand.u32 $0xFFFFFFC0, v14;
	[sflag:s30] =	ssyncadd.s32 $0xFFFFC000;
	(pc) =	sbr.rel @p0 .LBB2_2-.Ltmp0, $4  }
0xd5: {  	v14 =	vor.u32 v2, v14;
	[tilespmem:s16], [sflag:$0x3] =	stream.linear.gather [hbm4b:s15+s3], $0x4000, $0x38;
	[tilespmem:$0x10000] =	vst v63  }
0xd6: {  	v16 =	vperm.xlane v14, v3;
	_ =	swait.ge [sflag:s31], $0x4000  }
0xd7: {  	s8 =	smov.u32 s7;
	s7 =	sadd.s32 $0x2000, s7;
	[sflag:s31] =	ssyncset.done $0x0  }
0xd8: {  	s0 =	smov.u32 s8;
	s8 =	sadd.s32 $0x3800, s12;
	v15 =	vperm.xlane v14, v4;
	v14 =	vadd.s32 v5, v16;
	[sflag:s31] =	ssyncadd.s32 $0xFFFFC000  }
0xd9: {  	s20 =	simm.s32 $0xC000  }
0xda: {  	[tilespmem:s20], [sflag:$0x4] =	stream.linear.gather [hbm4b:s8+s3], $0x4000, $0x38;
	[tilespmem:$0x10000] =	vst v63  }
0xdb: {  	_ =	swait.ge [sflag:s5], $0x4000  }
0xdc: {  	[sflag:s5] =	ssyncset.done $0x0  }
0xdd: {  	[sflag:s5] =	ssyncadd.s32 $0xFFFFC000  }
0xde: {  	[hbm4b:s2+s3] =	stream.indirect_vreg.scatter [tilespmem:s3], [sflag:$0x5], $0x80, v14, vm0, $0xb8;
	[tilespmem:$0x10000] =	vst v63  }
0xdf: {  	s4 =	simm.s32 $0x800  }
0xe0: {  	[hbm4b:s9+s3] =	stream.indirect_vreg.scatter [tilespmem:s4], [sflag:$0x5], $0x80, v14, vm0, $0xb8;
	[tilespmem:$0x10000] =	vst v63  }
0xe1: {  	s7 =	sadd.s32 $0xFFFFFFE0, s6;
	v15 =	vadd.s32 v5, v15;
	s8 =	simm.s32 $0x1000  }
0xe2: {  	[hbm4b:s10+s3] =	stream.indirect_vreg.scatter [tilespmem:s8], [sflag:$0x5], $0x80, v14, vm0, $0xb8;
	[tilespmem:$0x10000] =	vst v63  }
0xe3: {  	s12 =	simm.s32 $0x1800;
	v16 =	vmov s7  }
0xe4: {  	v16 =	vshll.u32 v16, $0x7;
	[hbm4b:s11+s3] =	stream.indirect_vreg.scatter [tilespmem:s12], [sflag:$0x5], $0x80, v14, vm0, $0xb8;
	[tilespmem:$0x10000] =	vst v63  }
0xe5: {  	s13 =	simm.s32 $0x2000;
	v14 =	vor.u32 v0, v16  }
0xe6: {  	v14 =	vadd.s32 v1, v14;
	[hbm4b:s2+s3] =	stream.indirect_vreg.scatter [tilespmem:s13], [sflag:$0x5], $0x80, v15, vm0, $0xb8;
	[tilespmem:$0x10000] =	vst v63  }
0xe7: {  	s14 =	simm.s32 $0x2800;
	v14 =	vand.u32 $0xFFFFFFC0, v14  }
0xe8: {  	v14 =	vor.u32 v2, v14;
	[hbm4b:s9+s3] =	stream.indirect_vreg.scatter [tilespmem:s14], [sflag:$0x5], $0x80, v15, vm0, $0xb8;
	[tilespmem:$0x10000] =	vst v63  }
0xe9: {  	s15 =	simm.s32 $0x3000;
	v61 =	vperm.xlane v14, v3  }
0xea: {  	[hbm4b:s10+s3] =	stream.indirect_vreg.scatter [tilespmem:s15], [sflag:$0x5], $0x80, v15, vm0, $0xb8;
	[tilespmem:$0x10000] =	vst v63  }
0xeb: {  	s16 =	simm.s32 $0x3800;
	v16 =	vadd.s32 v5, v61  }
0xec: {  	[hbm4b:s11+s3] =	stream.indirect_vreg.scatter [tilespmem:s16], [sflag:$0x5], $0x80, v15, vm0, $0xb8;
	[tilespmem:$0x10000] =	vst v63  }
0xed: {  	_ =	swait.ge [sflag:s24], $0x4000  }
0xee: {  	[sflag:s24] =	ssyncset.done $0x0  }
0xef: {  	s15 =	simm.s32 $0x4000;
	[sflag:s24] =	ssyncadd.s32 $0xFFFFC000  }
0xf0: {  	[hbm4b:s2+s3] =	stream.indirect_vreg.scatter [tilespmem:s15], [sflag:$0x6], $0x80, v16, vm0, $0xb8;
	[tilespmem:$0x10000] =	vst v63  }
0xf1: {  	s17 =	simm.s32 $0x4800;
	v14 =	vperm.xlane v14, v4  }
0xf2: {  	[hbm4b:s9+s3] =	stream.indirect_vreg.scatter [tilespmem:s17], [sflag:$0x6], $0x80, v16, vm0, $0xb8;
	[tilespmem:$0x10000] =	vst v63  }
0xf3: {  	s19 =	sadd.s32 $0xFFFFFFF0, s6;
	s21 =	simm.s32 $0x5000;
	v14 =	vadd.s32 v5, v14  }
0xf4: {  	[hbm4b:s10+s3] =	stream.indirect_vreg.scatter [tilespmem:s21], [sflag:$0x6], $0x80, v16, vm0, $0xb8;
	[tilespmem:$0x10000] =	vst v63  }
0xf5: {  	s22 =	simm.s32 $0x5800;
	v15 =	vmov s19  }
0xf6: {  	v15 =	vshll.u32 v15, $0x7;
	[hbm4b:s11+s3] =	stream.indirect_vreg.scatter [tilespmem:s22], [sflag:$0x6], $0x80, v16, vm0, $0xb8;
	[tilespmem:$0x10000] =	vst v63  }
0xf7: {  	s23 =	simm.s32 $0x6000;
	v15 =	vor.u32 v0, v15  }
0xf8: {  	v15 =	vadd.s32 v1, v15;
	[hbm4b:s2+s3] =	stream.indirect_vreg.scatter [tilespmem:s23], [sflag:$0x6], $0x80, v14, vm0, $0xb8;
	[tilespmem:$0x10000] =	vst v63  }
0xf9: {  	s25 =	simm.s32 $0x6800;
	v15 =	vand.u32 $0xFFFFFFC0, v15  }
0xfa: {  	v15 =	vor.u32 v2, v15;
	[hbm4b:s9+s3] =	stream.indirect_vreg.scatter [tilespmem:s25], [sflag:$0x6], $0x80, v14, vm0, $0xb8;
	[tilespmem:$0x10000] =	vst v63  }
0xfb: {  	s26 =	simm.s32 $0x7000;
	v62 =	vperm.xlane v15, v3  }
0xfc: {  	[hbm4b:s10+s3] =	stream.indirect_vreg.scatter [tilespmem:s26], [sflag:$0x6], $0x80, v14, vm0, $0xb8;
	[tilespmem:$0x10000] =	vst v63  }
0xfd: {  	v16 =	vadd.s32 v5, v62;
	s26 =	simm.s32 $0x7800  }
0xfe: {  	[hbm4b:s11+s3] =	stream.indirect_vreg.scatter [tilespmem:s26], [sflag:$0x6], $0x80, v14, vm0, $0xb8;
	[tilespmem:$0x10000] =	vst v63  }
0xff: {  	_ =	swait.ge [sflag:s1], $0x4000  }
0x100: {  	[sflag:s1] =	ssyncset.done $0x0  }
0x101: {  	s16 =	simm.s32 $0x8000;
	[sflag:s1] =	ssyncadd.s32 $0xFFFFC000  }
0x102: {  	[hbm4b:s2+s3] =	stream.indirect_vreg.scatter [tilespmem:s16], [sflag:$0x7], $0x80, v16, vm0, $0xb8;
	[tilespmem:$0x10000] =	vst v63  }
0x103: {  	s25 =	simm.s32 $0x8800;
	v14 =	vperm.xlane v15, v4  }
0x104: {  	[hbm4b:s9+s3] =	stream.indirect_vreg.scatter [tilespmem:s25], [sflag:$0x7], $0x80, v16, vm0, $0xb8;
	[tilespmem:$0x10000] =	vst v63  }
0x105: {  	s22 =	simm.s32 $0x9000;
	v14 =	vadd.s32 v5, v14  }
0x106: {  	[hbm4b:s10+s3] =	stream.indirect_vreg.scatter [tilespmem:s22], [sflag:$0x7], $0x80, v16, vm0, $0xb8;
	[tilespmem:$0x10000] =	vst v63  }
0x107: {  	s23 =	simm.s32 $0x9800;
	v15 =	vmov s6  }
0x108: {  	v15 =	vshll.u32 v15, $0x7;
	[hbm4b:s11+s3] =	stream.indirect_vreg.scatter [tilespmem:s23], [sflag:$0x7], $0x80, v16, vm0, $0xb8;
	[tilespmem:$0x10000] =	vst v63  }
0x109: {  	s21 =	simm.s32 $0xA000;
	v15 =	vor.u32 v0, v15  }
0x10a: {  	v15 =	vadd.s32 v1, v15;
	[hbm4b:s2+s3] =	stream.indirect_vreg.scatter [tilespmem:s21], [sflag:$0x7], $0x80, v14, vm0, $0xb8;
	[tilespmem:$0x10000] =	vst v63  }
0x10b: {  	s19 =	simm.s32 $0xA800;
	v15 =	vand.u32 $0xFFFFFFC0, v15  }
0x10c: {  	v15 =	vor.u32 v2, v15;
	[hbm4b:s9+s3] =	stream.indirect_vreg.scatter [tilespmem:s19], [sflag:$0x7], $0x80, v14, vm0, $0xb8;
	[tilespmem:$0x10000] =	vst v63  }
0x10d: {  	s14 =	simm.s32 $0xB000;
	v63 =	vperm.xlane v15, v3  }
0x10e: {  	[hbm4b:s10+s3] =	stream.indirect_vreg.scatter [tilespmem:s14], [sflag:$0x7], $0x80, v14, vm0, $0xb8;
	[tilespmem:$0x10000] =	vst v63  }
0x10f: {  	s13 =	simm.s32 $0xB800;
	v16 =	vadd.s32 v5, v63  }
0x110: {  	[hbm4b:s11+s3] =	stream.indirect_vreg.scatter [tilespmem:s13], [sflag:$0x7], $0x80, v14, vm0, $0xb8;
	[tilespmem:$0x10000] =	vst v63  }
0x111: {  	_ =	swait.ge [sflag:s18], $0x4000  }
0x112: {  	[sflag:s18] =	ssyncset.done $0x0  }
0x113: {  	[sflag:s18] =	ssyncadd.s32 $0xFFFFC000  }
0x114: {  	[hbm4b:s2+s3] =	stream.indirect_vreg.scatter [tilespmem:s20], [sflag:$0x8], $0x80, v16, vm0, $0xb8;
	[tilespmem:$0x10000] =	vst v63  }
0x115: {  	s17 =	simm.s32 $0xC800;
	v14 =	vperm.xlane v15, v4  }
0x116: {  	[hbm4b:s9+s3] =	stream.indirect_vreg.scatter [tilespmem:s17], [sflag:$0x8], $0x80, v16, vm0, $0xb8;
	[tilespmem:$0x10000] =	vst v63  }
0x117: {  	s4 =	simm.s32 $0xD000;
	v14 =	vadd.s32 v5, v14  }
0x118: {  	[hbm4b:s10+s3] =	stream.indirect_vreg.scatter [tilespmem:s4], [sflag:$0x8], $0x80, v16, vm0, $0xb8;
	[tilespmem:$0x10000] =	vst v63  }
0x119: {  	s7 =	simm.s32 $0xD800  }
0x11a: {  	[hbm4b:s11+s3] =	stream.indirect_vreg.scatter [tilespmem:s7], [sflag:$0x8], $0x80, v16, vm0, $0xb8;
	[tilespmem:$0x10000] =	vst v63  }
0x11b: {  	s8 =	simm.s32 $0xE000  }
0x11c: {  	[hbm4b:s2+s3] =	stream.indirect_vreg.scatter [tilespmem:s8], [sflag:$0x8], $0x80, v14, vm0, $0xb8;
	[tilespmem:$0x10000] =	vst v63  }
0x11d: {  	s12 =	simm.s32 $0xE800  }
0x11e: {  	[hbm4b:s9+s3] =	stream.indirect_vreg.scatter [tilespmem:s12], [sflag:$0x8], $0x80, v14, vm0, $0xb8;
	[tilespmem:$0x10000] =	vst v63  }
0x11f: {  	s6 =	simm.s32 $0xF000  }
0x120: {  	[hbm4b:s10+s3] =	stream.indirect_vreg.scatter [tilespmem:s6], [sflag:$0x8], $0x80, v14, vm0, $0xb8;
	[tilespmem:$0x10000] =	vst v63  }
0x121: {  	s6 =	simm.s32 $0xF800  }
0x122: {  	[hbm4b:s11+s3] =	stream.indirect_vreg.scatter [tilespmem:s6], [sflag:$0x8], $0x80, v14, vm0, $0xb8;
	[tilespmem:$0x10000] =	vst v63  }
0x123: {  	_ =	swait.ge [sflag:s28], $0x4000  }
0x124: {  	s6 =	rddreg [dreg:$0x3]  }
0x125: {  	[sflag:s28] =	ssyncset.done $0x0;
	s0 =	sadd.s32 s0, s6  }
0x126: {  	[sflag:s28] =	ssyncadd.s32 $0xFFFFC000;
	s6 =	sadd.s32 $0x2000, s0  }
0x127: {  	[tilespmem:s3], [sflag:$0x1] =	stream.linear.gather [hbm4b:s6+s3], $0x4000, $0x38;
	[tilespmem:$0x10000] =	vst v63  }
0x128: {  	_ =	swait.ge [sflag:s29], $0x4000  }
0x129: {  	[sflag:s29] =	ssyncset.done $0x0  }
0x12a: {  	s6 =	sadd.s32 $0x2800, s0;
	[sflag:s29] =	ssyncadd.s32 $0xFFFFC000  }
0x12b: {  	[tilespmem:s15], [sflag:$0x2] =	stream.linear.gather [hbm4b:s6+s3], $0x4000, $0x38;
	[tilespmem:$0x10000] =	vst v63  }
0x12c: {  	_ =	swait.ge [sflag:s30], $0x4000  }
0x12d: {  	[sflag:s30] =	ssyncset.done $0x0  }
0x12e: {  	s6 =	sadd.s32 $0x3000, s0;
	[sflag:s30] =	ssyncadd.s32 $0xFFFFC000  }
0x12f: {  	[tilespmem:s16], [sflag:$0x3] =	stream.linear.gather [hbm4b:s6+s3], $0x4000, $0x38;
	[tilespmem:$0x10000] =	vst v63  }
0x130: {  	_ =	swait.ge [sflag:s31], $0x4000  }
0x131: {  	[sflag:s31] =	ssyncset.done $0x0  }
0x132: {  	s0 =	sadd.s32 $0x3800, s0;
	[sflag:s31] =	ssyncadd.s32 $0xFFFFC000  }
0x133: {  	[tilespmem:s20], [sflag:$0x4] =	stream.linear.gather [hbm4b:s0+s3], $0x4000, $0x38;
	[tilespmem:$0x10000] =	vst v63  }
0x134: {  	_ =	swait.ge [sflag:s5], $0x4000  }
0x135: {  	[sflag:s5] =	ssyncset.done $0x0  }
0x136: {  	[sflag:s5] =	ssyncadd.s32 $0xFFFFC000  }
0x137: {  	[hbm4b:s2+s3] =	stream.indirect_vreg.scatter [tilespmem:s3], [sflag:$0x5], $0x80, v6, vm0, $0xb8;
	[tilespmem:$0x10000] =	vst v63  }
0x138: {  	s6 =	simm.s32 $0x800  }
0x139: {  	[hbm4b:s9+s3] =	stream.indirect_vreg.scatter [tilespmem:s6], [sflag:$0x5], $0x80, v6, vm0, $0xb8;
	[tilespmem:$0x10000] =	vst v63  }
0x13a: {  	s6 =	simm.s32 $0x1000  }
0x13b: {  	[hbm4b:s10+s3] =	stream.indirect_vreg.scatter [tilespmem:s6], [sflag:$0x5], $0x80, v6, vm0, $0xb8;
	[tilespmem:$0x10000] =	vst v63  }
0x13c: {  	s6 =	simm.s32 $0x1800  }
0x13d: {  	[hbm4b:s11+s3] =	stream.indirect_vreg.scatter [tilespmem:s6], [sflag:$0x5], $0x80, v6, vm0, $0xb8;
	[tilespmem:$0x10000] =	vst v63  }
0x13e: {  	s6 =	simm.s32 $0x2000  }
0x13f: {  	[hbm4b:s2+s3] =	stream.indirect_vreg.scatter [tilespmem:s6], [sflag:$0x5], $0x80, v7, vm0, $0xb8;
	[tilespmem:$0x10000] =	vst v63  }
0x140: {  	s6 =	simm.s32 $0x2800  }
0x141: {  	[hbm4b:s9+s3] =	stream.indirect_vreg.scatter [tilespmem:s6], [sflag:$0x5], $0x80, v7, vm0, $0xb8;
	[tilespmem:$0x10000] =	vst v63  }
0x142: {  	s6 =	simm.s32 $0x3000  }
0x143: {  	[hbm4b:s10+s3] =	stream.indirect_vreg.scatter [tilespmem:s6], [sflag:$0x5], $0x80, v7, vm0, $0xb8;
	[tilespmem:$0x10000] =	vst v63  }
0x144: {  	s6 =	simm.s32 $0x3800  }
0x145: {  	[hbm4b:s11+s3] =	stream.indirect_vreg.scatter [tilespmem:s6], [sflag:$0x5], $0x80, v7, vm0, $0xb8;
	[tilespmem:$0x10000] =	vst v63  }
0x146: {  	_ =	swait.ge [sflag:s24], $0x4000  }
0x147: {  	[sflag:s24] =	ssyncset.done $0x0  }
0x148: {  	[sflag:s24] =	ssyncadd.s32 $0xFFFFC000  }
0x149: {  	[hbm4b:s2+s3] =	stream.indirect_vreg.scatter [tilespmem:s15], [sflag:$0x6], $0x80, v8, vm0, $0xb8;
	[tilespmem:$0x10000] =	vst v63  }
0x14a: {  	s15 =	simm.s32 $0x4800  }
0x14b: {  	[hbm4b:s9+s3] =	stream.indirect_vreg.scatter [tilespmem:s15], [sflag:$0x6], $0x80, v8, vm0, $0xb8;
	[tilespmem:$0x10000] =	vst v63  }
0x14c: {  	s6 =	simm.s32 $0x5000  }
0x14d: {  	[hbm4b:s10+s3] =	stream.indirect_vreg.scatter [tilespmem:s6], [sflag:$0x6], $0x80, v8, vm0, $0xb8;
	[tilespmem:$0x10000] =	vst v63  }
0x14e: {  	s15 =	simm.s32 $0x5800  }
0x14f: {  	[hbm4b:s11+s3] =	stream.indirect_vreg.scatter [tilespmem:s15], [sflag:$0x6], $0x80, v8, vm0, $0xb8;
	[tilespmem:$0x10000] =	vst v63  }
0x150: {  	s6 =	simm.s32 $0x6000  }
0x151: {  	[hbm4b:s2+s3] =	stream.indirect_vreg.scatter [tilespmem:s6], [sflag:$0x6], $0x80, v9, vm0, $0xb8;
	[tilespmem:$0x10000] =	vst v63  }
0x152: {  	s15 =	simm.s32 $0x6800  }
0x153: {  	[hbm4b:s9+s3] =	stream.indirect_vreg.scatter [tilespmem:s15], [sflag:$0x6], $0x80, v9, vm0, $0xb8;
	[tilespmem:$0x10000] =	vst v63  }
0x154: {  	s6 =	simm.s32 $0x7000  }
0x155: {  	[hbm4b:s10+s3] =	stream.indirect_vreg.scatter [tilespmem:s6], [sflag:$0x6], $0x80, v9, vm0, $0xb8;
	[tilespmem:$0x10000] =	vst v63  }
0x156: {  	_ = 	snop  }
0x157: {  	[hbm4b:s11+s3] =	stream.indirect_vreg.scatter [tilespmem:s26], [sflag:$0x6], $0x80, v9, vm0, $0xb8;
	[tilespmem:$0x10000] =	vst v63  }
0x158: {  	_ =	swait.ge [sflag:s1], $0x4000  }
0x159: {  	[sflag:s1] =	ssyncset.done $0x0  }
0x15a: {  	[sflag:s1] =	ssyncadd.s32 $0xFFFFC000  }
0x15b: {  	[hbm4b:s2+s3] =	stream.indirect_vreg.scatter [tilespmem:s16], [sflag:$0x7], $0x80, v10, vm0, $0xb8;
	[tilespmem:$0x10000] =	vst v63  }
0x15c: {  	_ = 	snop  }
0x15d: {  	[hbm4b:s9+s3] =	stream.indirect_vreg.scatter [tilespmem:s25], [sflag:$0x7], $0x80, v10, vm0, $0xb8;
	[tilespmem:$0x10000] =	vst v63  }
0x15e: {  	_ = 	snop  }
0x15f: {  	[hbm4b:s10+s3] =	stream.indirect_vreg.scatter [tilespmem:s22], [sflag:$0x7], $0x80, v10, vm0, $0xb8;
	[tilespmem:$0x10000] =	vst v63  }
0x160: {  	_ = 	snop  }
0x161: {  	[hbm4b:s11+s3] =	stream.indirect_vreg.scatter [tilespmem:s23], [sflag:$0x7], $0x80, v10, vm0, $0xb8;
	[tilespmem:$0x10000] =	vst v63  }
0x162: {  	_ = 	snop  }
0x163: {  	[hbm4b:s2+s3] =	stream.indirect_vreg.scatter [tilespmem:s21], [sflag:$0x7], $0x80, v11, vm0, $0xb8;
	[tilespmem:$0x10000] =	vst v63  }
0x164: {  	_ = 	snop  }
0x165: {  	[hbm4b:s9+s3] =	stream.indirect_vreg.scatter [tilespmem:s19], [sflag:$0x7], $0x80, v11, vm0, $0xb8;
	[tilespmem:$0x10000] =	vst v63  }
0x166: {  	_ = 	snop  }
0x167: {  	[hbm4b:s10+s3] =	stream.indirect_vreg.scatter [tilespmem:s14], [sflag:$0x7], $0x80, v11, vm0, $0xb8;
	[tilespmem:$0x10000] =	vst v63  }
0x168: {  	_ = 	snop  }
0x169: {  	[hbm4b:s11+s3] =	stream.indirect_vreg.scatter [tilespmem:s13], [sflag:$0x7], $0x80, v11, vm0, $0xb8;
	[tilespmem:$0x10000] =	vst v63  }
0x16a: {  	_ =	swait.ge [sflag:s18], $0x4000  }
0x16b: {  	[sflag:s18] =	ssyncset.done $0x0  }
0x16c: {  	[sflag:s18] =	ssyncadd.s32 $0xFFFFC000  }
0x16d: {  	[hbm4b:s2+s3] =	stream.indirect_vreg.scatter [tilespmem:s20], [sflag:$0x8], $0x80, v12, vm0, $0xb8;
	[tilespmem:$0x10000] =	vst v63  }
0x16e: {  	_ = 	snop  }
0x16f: {  	[hbm4b:s9+s3] =	stream.indirect_vreg.scatter [tilespmem:s17], [sflag:$0x8], $0x80, v12, vm0, $0xb8;
	[tilespmem:$0x10000] =	vst v63  }
0x170: {  	_ = 	snop  }
0x171: {  	[hbm4b:s10+s3] =	stream.indirect_vreg.scatter [tilespmem:s4], [sflag:$0x8], $0x80, v12, vm0, $0xb8;
	[tilespmem:$0x10000] =	vst v63  }
0x172: {  	_ = 	snop  }
0x173: {  	[hbm4b:s11+s3] =	stream.indirect_vreg.scatter [tilespmem:s7], [sflag:$0x8], $0x80, v12, vm0, $0xb8;
	[tilespmem:$0x10000] =	vst v63  }
0x174: {  	_ = 	snop  }
0x175: {  	[hbm4b:s2+s3] =	stream.indirect_vreg.scatter [tilespmem:s8], [sflag:$0x8], $0x80, v13, vm0, $0xb8;
	[tilespmem:$0x10000] =	vst v63  }
0x176: {  	_ = 	snop  }
0x177: {  	[hbm4b:s9+s3] =	stream.indirect_vreg.scatter [tilespmem:s12], [sflag:$0x8], $0x80, v13, vm0, $0xb8;
	[tilespmem:$0x10000] =	vst v63  }
0x178: {  	s8 =	simm.s32 $0xF000  }
0x179: {  	[hbm4b:s10+s3] =	stream.indirect_vreg.scatter [tilespmem:s8], [sflag:$0x8], $0x80, v13, vm0, $0xb8;
	[tilespmem:$0x10000] =	vst v63  }
0x17a: {  	s12 =	simm.s32 $0xF800  }
0x17b: {  	[hbm4b:s11+s3] =	stream.indirect_vreg.scatter [tilespmem:s12], [sflag:$0x8], $0x80, v13, vm0, $0xb8;
	[tilespmem:$0x10000] =	vst v63  }
0x17c: {  	_ =	swait.ge [sflag:s28], $0x4000  }
0x17d: {  	[sflag:s28] =	ssyncset.done $0x0  }
0x17e: {  	[sflag:s28] =	ssyncadd.s32 $0xFFFFC000  }
0x17f: {  	_ =	swait.ge [sflag:s29], $0x4000  }
0x180: {  	[sflag:s29] =	ssyncset.done $0x0  }
0x181: {  	[sflag:s29] =	ssyncadd.s32 $0xFFFFC000  }
0x182: {  	_ =	swait.ge [sflag:s30], $0x4000  }
0x183: {  	[sflag:s30] =	ssyncset.done $0x0  }
0x184: {  	[sflag:s30] =	ssyncadd.s32 $0xFFFFC000  }
0x185: {  	_ =	swait.ge [sflag:s31], $0x4000  }
0x186: {  	s15 =	rddreg [dreg:$0xa]  }
0x187: {  	s16 =	rddreg [dreg:$0x8];
	s4 =	sadd.s32 $0x1, s15  }
0x188: {  	p0 =	sne.s32 s4, s16  }
.Ltmp1:
0x189: {  	_ = 	snop;
	(pc) =	sbr.rel @p0 .LBB2_1-.Ltmp1, $4  }
0x18a: {  	s26 =	simm.s32 $0xB000;
	s25 =	simm.s32 $0xA800;
	s22 =	simm.s32 $0xF000  }
0x18b: {  	s23 =	simm.s32 $0xF800;
	s21 =	simm.s32 $0xE800;
	s19 =	simm.s32 $0xD800  }
0x18c: {  	s14 =	simm.s32 $0xB800;
	s13 =	simm.s32 $0xC800;
	[sflag:s31] =	ssyncset.done $0x0  }
0x18d: {  	s20 =	simm.s32 $0xE000;
	s17 =	simm.s32 $0xD000;
	[sflag:s31] =	ssyncadd.s32 $0xFFFFC000  }
0x18e: {  	_ =	sfence.sel $0x180000  }
0x18f: {  	[bflag:$0x0] =	sbarrier.arrive $0xFFFF  }
0x190: {  	_ =	strace $0x90000047  }
0x191: {  	s0 =	stileid.u32;
	[bflag:$0x2] =	sbarrier.arrive $0xFFFF  }
0x192: {  	p0 =	sne.s32 s0, $0x0;
	s0 =	rddreg [dreg:$0x2]  }
0x193: {  	s0 =	sadd.s32 @!p0 $0x100000, s0  }
0x194: {  	[sflag:s0] =	ssyncadd.tile.s32 @!p0 $0x1;
	_ =	shalt  }
.Lfunc_end2:
_tile_overlayer_lowered:
.L_overlay_start_2:
0x195: {  	(tag) =	ssettag $0x2  }
0x196: {  	s0 =	rddreg [dreg:$0x0];
	s2 =	stileid.u32  }
0x197: {  	s1 =	rddreg [dreg:$0x1];
	p0 =	sne.s32 s2, $0x0  }
0x198: {  	s3 =	rddreg [dreg:$0x2];
	[bflag:$0x3] =	sbarrier.arrive $0xFFFF;
	s2 =	simm.s32 @!p0 $0x1C09  }
0x199: {  	[timem:s3], [sflag:s2] =	dma.local @!p0 [hbm:s0], s1  }
0x19a: {  	s0 =	simm.s32 @!p0 $0x9  }
0x19b: {  	_ =	swait.ge @!p0 [sflag:s0], s1  }
0x19c: {  	s1 =	ssub.s32 @!p0 $0x0, s1;
	[sflag:s0] =	ssyncset.done @!p0 $0x0  }
0x19d: {  	[sflag:s0] =	ssyncadd.s32 @!p0 s1  }
0x19e: {  	[bflag:$0x3] =	sbarrier.arrive $0xFFFF  }
0x19f: {  	_ =	shalt  }

</sc_bundles>
